<compile_context>
chip_gen: v7x
topology: tpu7x:2x2x1
jax: 0.10.2.dev20260603
libtpu: 0.0.44.dev20260713+nightly
codegen_flags: <defaults>
</compile_context>

<pallas_src>
import dataclasses
from functools import partial

import jax
import jax.numpy as jnp
from jax.experimental import pallas as pl
from jax.experimental.pallas import tpu as pltpu
from jax.experimental.pallas import tpu_sc as plsc

B = 4096
F = 2048
K = 1024
D = 64
NJ = F // D
N_CODES = B * NJ
BM = 512
GRID_M = B // BM
SC_CORES = 2
SC_SUBCORES = 16
SC_WORKERS = SC_CORES * SC_SUBCORES
GATHER_W = 256

_DOT_STD = (((1,), (0,)), ((), ()))
_DOT_TB = (((1,), (1,)), ((), ()))


def _encode_body(x_ref, w1_ref, b1_ref, w2_ref, b2_ref, lat_ref):
    xb = x_ref[...].astype(jnp.bfloat16)
    h = jax.lax.dot_general(xb, w1_ref[...], _DOT_TB,
                            preferred_element_type=jnp.float32) + b1_ref[...]
    hb = jnp.maximum(h, 0.0).astype(jnp.bfloat16)
    lat_ref[...] = jax.lax.dot_general(
        hb, w2_ref[...], _DOT_TB,
        preferred_element_type=jnp.float32) + b2_ref[...]


def _encode(x, w1b, b1, w2b, b2):
    return pl.pallas_call(
        _encode_body,
        grid=(GRID_M,),
        in_specs=[
            pl.BlockSpec((BM, F), lambda m: (m, 0)),
            pl.BlockSpec((F, F), lambda m: (0, 0)),
            pl.BlockSpec((1, F), lambda m: (0, 0)),
            pl.BlockSpec((F, F), lambda m: (0, 0)),
            pl.BlockSpec((1, F), lambda m: (0, 0)),
        ],
        out_specs=pl.BlockSpec((BM, F), lambda m: (m, 0)),
        out_shape=jax.ShapeDtypeStruct((B, F), jnp.float32),
        compiler_params=pltpu.CompilerParams(
            dimension_semantics=("arbitrary",)),
    )(x, w1b, b1, w2b, b2)


BC = 4096
VQ_STEPS = N_CODES // BC


VQ_RT = 256


def _vq_body(codes_ref, cbt2_ref, cn_ref, idx_ref):
    cbtb = cbt2_ref[...].astype(jnp.bfloat16)
    cn = cn_ref[...]
    for rt in range(BC // VQ_RT):
        cs = codes_ref[pl.ds(rt * VQ_RT, VQ_RT), :].astype(jnp.bfloat16)
        d = jax.lax.dot_general(cs, cbtb, (((1,), (0,)), ((), ())),
                                preferred_element_type=jnp.float32)
        ij = jnp.argmin(d + cn, axis=1).astype(jnp.int32)
        idx_ref[0, 0, pl.ds(rt * VQ_RT, VQ_RT)] = ij


def _vq(codes, cbt2, cn):
    steps = codes.shape[0] // BC
    return pl.pallas_call(
        _vq_body,
        grid=(steps,),
        in_specs=[
            pl.BlockSpec((BC, D), lambda i: (i, 0)),
            pl.BlockSpec((D, K), lambda i: (0, 0)),
            pl.BlockSpec((1, K), lambda i: (0, 0)),
        ],
        out_specs=pl.BlockSpec((1, 1, BC), lambda i: (i, 0, 0)),
        out_shape=jax.ShapeDtypeStruct((steps, 1, BC), jnp.int32),
        compiler_params=pltpu.CompilerParams(
            dimension_semantics=("arbitrary",)),
    )(codes, cbt2, cn)


def _sc_gather_hist(idx2d, cb_pad):
    cp = pltpu.CompilerParams()
    if "needs_layout_passes" in pltpu.CompilerParams.__dataclass_fields__:
        cp = dataclasses.replace(cp, needs_layout_passes=False)
    mesh = plsc.VectorSubcoreMesh(core_axis_name="c", subcore_axis_name="s")
    n_idx = idx2d.shape[1]
    out_types = (
        jax.ShapeDtypeStruct((n_idx, 128), jnp.float32),
        jax.ShapeDtypeStruct((SC_WORKERS, K), jnp.float32),
    )

    @partial(pl.kernel, out_type=out_types, mesh=mesh,
             scratch_types=[pltpu.VMEM((K,), jnp.float32)],
             compiler_params=cp)
    def k(cb_hbm, i_hbm, q_hbm, h_hbm, hist_ref):
        @pl.loop(0, K, step=16)
        def _(c):
            hist_ref[pl.ds(c, 16)] = jnp.zeros((16,), jnp.float32)

        def body(i_vmem, o_vmem):
            pltpu.sync_copy(cb_hbm.at[i_vmem.at[0]], o_vmem)

            @pl.loop(0, GATHER_W, step=16)
            def _(c):
                v = i_vmem[0, pl.ds(c, 16)]
                plsc.addupdate_scatter(hist_ref, [v],
                                       jnp.ones((16,), jnp.float32))

        pltpu.emit_pipeline(
            body,
            grid=(n_idx // GATHER_W,),
            in_specs=[pl.BlockSpec((1, GATHER_W), index_map=lambda i: (0, i))],
            out_specs=[pl.BlockSpec((GATHER_W, 128),
                                    index_map=lambda i: (i, 0))],
            core_axis_name=("c", "s"),
            dimension_semantics=(pltpu.PARALLEL,),
        )(i_hbm, q_hbm)

        sid = jax.lax.axis_index("c") * SC_SUBCORES + jax.lax.axis_index("s")
        pltpu.sync_copy(hist_ref, h_hbm.at[sid])

    return k(cb_pad, idx2d)


def _decode_body(q_ref, lat_ref, w3_ref, b3_ref, w4_ref, b4_ref, part_ref,
                 rec_ref, vq_ref, ppl_ref, acc_ref):
    m = pl.program_id(0)

    @pl.when(m == 0)
    def _():
        acc_ref[0] = 0.0

    qb = q_ref[...]
    diff = qb - lat_ref[...]
    acc_ref[0] += jnp.sum(diff * diff)

    h2 = jax.lax.dot_general(qb.astype(jnp.bfloat16), w3_ref[...], _DOT_TB,
                             preferred_element_type=jnp.float32) + b3_ref[...]
    h2b = jnp.maximum(h2, 0.0).astype(jnp.bfloat16)
    rec_ref[...] = jax.lax.dot_general(h2b, w4_ref[...], _DOT_TB,
                                       preferred_element_type=jnp.float32
                                       ) + b4_ref[...]

    @pl.when(m == GRID_M - 1)
    def _():
        vq_ref[...] = jnp.reshape(acc_ref[0] * (1.25 / float(N_CODES * D)),
                                  (1, 1))
        counts = jnp.sum(part_ref[...], axis=0)
        p = counts * (1.0 / float(N_CODES))
        ppl_ref[...] = jnp.reshape(jnp.exp(-jnp.sum(p * jnp.log(p + 1e-10))),
                                   (1, 1))


def _decode(q, latent, w3b, b3, w4b, b4, partials):
    return pl.pallas_call(
        _decode_body,
        grid=(GRID_M,),
        in_specs=[
            pl.BlockSpec((BM, F), lambda m: (m, 0)),
            pl.BlockSpec((BM, F), lambda m: (m, 0)),
            pl.BlockSpec((F, F), lambda m: (0, 0)),
            pl.BlockSpec((1, F), lambda m: (0, 0)),
            pl.BlockSpec((F, F), lambda m: (0, 0)),
            pl.BlockSpec((1, F), lambda m: (0, 0)),
            pl.BlockSpec((SC_WORKERS, K), lambda m: (0, 0)),
        ],
        out_specs=[
            pl.BlockSpec((BM, F), lambda m: (m, 0)),
            pl.BlockSpec((1, 1), lambda m: (0, 0)),
            pl.BlockSpec((1, 1), lambda m: (0, 0)),
        ],
        out_shape=[
            jax.ShapeDtypeStruct((B, F), jnp.float32),
            jax.ShapeDtypeStruct((1, 1), jnp.float32),
            jax.ShapeDtypeStruct((1, 1), jnp.float32),
        ],
        scratch_shapes=[pltpu.SMEM((1,), jnp.float32)],
        compiler_params=pltpu.CompilerParams(
            dimension_semantics=("arbitrary",)),
    )(q, latent, w3b, b3, w4b, b4, partials)


def kernel(x, W1, b1, W2, b2, W3, b3, W4, b4, codebook):
    w1b = W1.astype(jnp.bfloat16)
    w2b = W2.astype(jnp.bfloat16)
    w3b = W3.astype(jnp.bfloat16)
    w4b = W4.astype(jnp.bfloat16)
    b1r = b1.reshape(1, F)
    b2r = b2.reshape(1, F)
    b3r = b3.reshape(1, F)
    b4r = b4.reshape(1, F)

    cbt2 = codebook.T * jnp.float32(-2.0)
    cn = jnp.sum(codebook * codebook, axis=1)[None, :]
    cb_pad = jnp.pad(codebook, ((0, 0), (0, 128 - D)))

    latent = _encode(x, w1b, b1r, w2b, b2r)
    idx = _vq(latent.reshape(N_CODES, D), cbt2, cn)
    q_pad, partials = _sc_gather_hist(idx.reshape(1, N_CODES), cb_pad)
    q = q_pad[:, :D].reshape(B, F)
    recons, vq, ppl = _decode(q, latent, w3b, b3r, w4b, b4r, partials)
    return recons, vq.reshape(()), ppl.reshape(())

# --- scband reference (transcript-rebuilt; emitter-appended) ---
"""Pipeline reference for scband-linear-vq-vae-49082886259062 (READ-ONLY COPY).

The authoritative reference and input builder live on the scoring server;
editing this copy changes nothing except your own understanding.
"""

import jax, jax.numpy as jnp
import numpy as np

B = 4096
IN_FEATURES = 2048
K = 1024
D = 64
COMMITMENT_COST = 0.25


def _linear_init(key, fan_in, shape):
    bound = 1.0 / np.sqrt(fan_in)
    return jax.random.uniform(key, shape, dtype=jnp.float32, minval=-bound, maxval=bound)


def setup_inputs(seed: int = 0) -> dict:
    key = jax.random.key(seed)
    ks = jax.random.split(key, 10)
    x = jax.random.normal(ks[0], (B, IN_FEATURES), dtype=jnp.float32)
    W1 = _linear_init(ks[1], IN_FEATURES, (IN_FEATURES, IN_FEATURES))
    b1 = _linear_init(ks[2], IN_FEATURES, (IN_FEATURES,))
    W2 = _linear_init(ks[3], IN_FEATURES, (IN_FEATURES, IN_FEATURES))
    b2 = _linear_init(ks[4], IN_FEATURES, (IN_FEATURES,))
    W3 = _linear_init(ks[5], IN_FEATURES, (IN_FEATURES, IN_FEATURES))
    b3 = _linear_init(ks[6], IN_FEATURES, (IN_FEATURES,))
    W4 = _linear_init(ks[7], IN_FEATURES, (IN_FEATURES, IN_FEATURES))
    b4 = _linear_init(ks[8], IN_FEATURES, (IN_FEATURES,))
    codebook = jax.random.uniform(ks[9], (K, D), dtype=jnp.float32, minval=-1.0 / K, maxval=1.0 / K)
    return {"x": x, "W1": W1, "b1": b1, "W2": W2, "b2": b2, "W3": W3, "b3": b3, "W4": W4, "b4": b4, "codebook": codebook}


def reference(x, W1, b1, W2, b2, W3, b3, W4, b4, codebook):
    # encode
    h = jnp.dot(x, W1.T) + b1
    h = jax.nn.relu(h)
    latent = jnp.dot(h, W2.T) + b2
    batch_size = latent.shape[0]
    codes = latent.reshape(batch_size, -1, D).reshape(-1, D)
    # vector quantizer: cdist (euclidean) then argmin
    d2 = (jnp.sum(codes ** 2, axis=1, keepdims=True)
          - 2.0 * jnp.dot(codes, codebook.T)
          + jnp.sum(codebook ** 2, axis=1)[None, :])
    distances = jnp.sqrt(jnp.maximum(d2, 0.0))
    encodings_idxs = jnp.argmin(distances, axis=1)
    quantized = jnp.take(codebook, encodings_idxs, axis=0)
    e_latent_loss = jnp.mean((jax.lax.stop_gradient(quantized) - codes) ** 2)
    q_latent_loss = jnp.mean((quantized - jax.lax.stop_gradient(codes)) ** 2)
    vq_loss = q_latent_loss + COMMITMENT_COST * e_latent_loss
    quantized_st = codes + jax.lax.stop_gradient(quantized - codes)
    encodings = jax.nn.one_hot(encodings_idxs, K, dtype=jnp.float32)
    avg_probs = jnp.mean(encodings, axis=0)
    perplexity = jnp.exp(-jnp.sum(avg_probs * jnp.log(avg_probs + 1e-10)))
    quantized_flat = quantized_st.reshape(batch_size, -1, D).reshape(batch_size, -1)
    # decode
    h2 = jnp.dot(quantized_flat, W3.T) + b3
    h2 = jax.nn.relu(h2)
    recons = jnp.dot(h2, W4.T) + b4
    return (recons, vq_loss, perplexity)

if __name__ == "__main__":
    import jax
    _d = setup_inputs()
    print(jax.jit(kernel)(*tuple(_d.values())))

</pallas_src>

<mosaic_0001>
#map = affine_map<(d0, d1) -> (0, 0)>
module attributes {stable_mosaic.version = 14 : i64} {
  func.func @k(%arg0: i32, %arg1: i32, %arg2: memref<1024x128xf32, #tpu.memory_space<hbm>>, %arg3: memref<1x131072xi32, #tpu.memory_space<hbm>>, %arg4: memref<131072x128xf32, #tpu.memory_space<hbm>>, %arg5: memref<32x1024xf32, #tpu.memory_space<hbm>>, %arg6: memref<1024xf32, #tpu.memory_space<vmem>>) attributes {dimension_semantics = [#tpu.dimension_semantics<core_parallel>, #tpu.dimension_semantics<subcore_parallel>], iteration_bounds = array<i64: 2, 16>, scalar_prefetch = 0 : i64, scratch_operands = 1 : i64, tpu.core_type = #tpu.core_type<sc_vector_subcore>, window_params = [{transform_indices = #map}, {transform_indices = #map}, {transform_indices = #map}, {transform_indices = #map}]} {
    %scan3A = arith.constant 0 : i32
    %scan3A_0 = arith.constant 64 : i32
    %scan3A_1 = arith.addi %scan3A, %scan3A_0 : i32
    %scan3A_2 = arith.constant 1 : i32
    scf.for %scan3A_14 = %scan3A to %scan3A_1 step %scan3A_2  : i32 {
      %mul3A_15 = arith.constant 16 : i32
      %mul3A_16 = arith.muli %scan3A_14, %mul3A_15 : i32
      %add3A_17 = arith.constant 0 : i32
      %add3A_18 = arith.addi %add3A_17, %mul3A_16 : i32
      %broadcast_in_dim3A = arith.constant 0.000000e+00 : f32
      %broadcast_in_dim3A_19 = vector.broadcast %broadcast_in_dim3A : f32 to vector<16xf32>
      %swap3A = arith.index_cast %add3A_18 : i32 to index
      %swap3A_20 = tpu.vector_load %arg6[%swap3A] {strides = array<i32>} : memref<1024xf32, #tpu.memory_space<vmem>>, vector<16xf32>,
      tpu.vector_store %arg6[%swap3A], %broadcast_in_dim3A_19 {strides = array<i32>} : memref<1024xf32, #tpu.memory_space<vmem>>, vector<16xf32>,
    }
    %scan3A_3 = arith.constant 64 : i32
    %mul3A = arith.constant 1 : i32
    %mul3A_4 = arith.muli %arg1, %mul3A : i32
    %add3A = arith.constant 0 : i32
    %add3A_5 = arith.addi %add3A, %mul3A_4 : i32
    %mul3A_6 = arith.constant 16 : i32
    %mul3A_7 = arith.muli %arg0, %mul3A_6 : i32
    %add3A_8 = arith.addi %add3A_5, %mul3A_7 : i32
    %mul3A_9 = arith.constant 16 : i32
    %mul3A_10 = arith.muli %add3A_8, %mul3A_9 : i32
    "tpu.region"() ({
      %run_scoped3A = memref.alloca() : memref<2x1x256xi32, #tpu.memory_space<vmem>>
      %run_scoped3A_14 = tpu.sem_alloc : memref<2x!tpu.dma_semaphore, #tpu.memory_space<semaphore_mem>>
      %run_scoped3A_15 = memref.alloca() : memref<2x256x128xf32, #tpu.memory_space<vmem>>
      %run_scoped3A_16 = tpu.sem_alloc : memref<2x!tpu.dma_semaphore, #tpu.memory_space<semaphore_mem>>
      %add3A_17 = arith.constant 0 : i32
      %add3A_18 = arith.addi %add3A_17, %mul3A_10 : i32
      %select_n3A = arith.constant true
      %select_n3A_19 = arith.constant 0 : i32
      %select_n3A_20 = arith.constant -1 : i32
      %select_n3A_21 = arith.select %select_n3A, %select_n3A_20, %select_n3A_19 : i32
      %eq3A = arith.constant -1 : i32
      %eq3A_22 = arith.cmpi eq, %select_n3A_21, %eq3A : i32
      %select_n3A_23 = arith.constant 15 : i32
      %select_n3A_24 = arith.select %eq3A_22, %select_n3A_23, %select_n3A_21 : i32
      %add3A_25 = arith.addi %select_n3A_24, %mul3A_10 : i32
      %select_n3A_26 = arith.constant true
      %select_n3A_27 = arith.constant 0 : i32
      %select_n3A_28 = arith.constant 1 : i32
      %select_n3A_29 = arith.select %select_n3A_26, %select_n3A_28, %select_n3A_27 : i32
      %eq3A_30 = arith.constant 16 : i32
      %eq3A_31 = arith.cmpi eq, %select_n3A_29, %eq3A_30 : i32
      %select_n3A_32 = arith.constant 0 : i32
      %select_n3A_33 = arith.select %eq3A_31, %select_n3A_32, %select_n3A_29 : i32
      %add3A_34 = arith.addi %select_n3A_33, %mul3A_10 : i32
      %add3A_35 = arith.constant 1 : i32
      %add3A_36 = arith.addi %select_n3A_33, %add3A_35 : i32
      %select_n3A_37 = arith.constant true
      %select_n3A_38 = arith.select %select_n3A_37, %add3A_36, %select_n3A_33 : i32
      %eq3A_39 = arith.constant 16 : i32
      %eq3A_40 = arith.cmpi eq, %select_n3A_38, %eq3A_39 : i32
      %select_n3A_41 = arith.constant 0 : i32
      %select_n3A_42 = arith.select %eq3A_40, %select_n3A_41, %select_n3A_38 : i32
      %add3A_43 = arith.addi %select_n3A_42, %mul3A_10 : i32
      "tpu.trace_start"() <{level = 10 : i32, message = "ep_initialize_0"}> : () -> ()
      %rem3A = arith.constant 0 : i32
      %rem3A_44 = arith.constant 2 : i32
      %rem3A_45 = arith.remui %rem3A, %rem3A_44 : i32
      %mul3A_46 = arith.constant 256 : i32
      %mul3A_47 = arith.muli %mul3A_46, %add3A_18 : i32
      %dma_start3A = arith.constant 0 : i32
      %dma_start3A_48 = arith.constant 0 : i32
      %dma_start3A_49 = tpu.memref_slice %run_scoped3A[%rem3A_45, %dma_start3A, %dma_start3A_48] : memref<2x1x256xi32, #tpu.memory_space<vmem>> -> memref<1x1x256xi32, #tpu.memory_space<vmem>>
      %dma_start3A_50 = tpu.memref_squeeze %dma_start3A_49 : memref<1x1x256xi32, #tpu.memory_space<vmem>> -> memref<1x256xi32, #tpu.memory_space<vmem>>
      %dma_start3A_51 = arith.constant 0 : i32
      %dma_start3A_52 = tpu.memref_slice %arg3[%dma_start3A_51, %mul3A_47] : memref<1x131072xi32, #tpu.memory_space<hbm>> -> memref<1x256xi32, #tpu.memory_space<hbm>>
      %dma_start3A_53 = tpu.memref_slice %run_scoped3A_14[%rem3A_45] : memref<2x!tpu.dma_semaphore, #tpu.memory_space<semaphore_mem>> -> memref<1x!tpu.dma_semaphore, #tpu.memory_space<semaphore_mem>>
      %dma_start3A_54 = tpu.memref_squeeze %dma_start3A_53 : memref<1x!tpu.dma_semaphore, #tpu.memory_space<semaphore_mem>> -> memref<!tpu.dma_semaphore, #tpu.memory_space<semaphore_mem>>
      %dma_start3A_55 = arith.constant 0 : i32
      %dma_start3A_56 = arith.constant 0 : i32
      %dma_start3A_57 = tpu.memref_slice %run_scoped3A[%rem3A_45, %dma_start3A_55, %dma_start3A_56] : memref<2x1x256xi32, #tpu.memory_space<vmem>> -> memref<1x1x256xi32, #tpu.memory_space<vmem>>
      %dma_start3A_58 = tpu.memref_squeeze %dma_start3A_57 : memref<1x1x256xi32, #tpu.memory_space<vmem>> -> memref<1x256xi32, #tpu.memory_space<vmem>>
      %dma_start3A_59 = arith.constant 0 : i32
      %dma_start3A_60 = tpu.memref_slice %arg3[%dma_start3A_59, %mul3A_47] : memref<1x131072xi32, #tpu.memory_space<hbm>> -> memref<1x256xi32, #tpu.memory_space<hbm>>
      tpu.enqueue_dma source(%dma_start3A_60 : memref<1x256xi32, #tpu.memory_space<hbm>>) target(%dma_start3A_58 : memref<1x256xi32, #tpu.memory_space<vmem>>) target_semaphore(%dma_start3A_54 : memref<!tpu.dma_semaphore, #tpu.memory_space<semaphore_mem>>)
      %add3A_61 = arith.constant 0 : i32
      %add3A_62 = arith.constant 1 : i32
      %add3A_63 = arith.addi %add3A_61, %add3A_62 : i32
      %select_n3A_64 = arith.constant true
      %select_n3A_65 = arith.constant 0 : i32
      %select_n3A_66 = arith.select %select_n3A_64, %add3A_63, %select_n3A_65 : i32
      "tpu.trace_stop"() : () -> ()
      %scan3A_67 = arith.constant 0 : i32
      %scan3A_68 = arith.constant 0 : i32
      %scan3A_69 = arith.constant 0 : i32
      %scan3A_70 = arith.constant 0 : i32
      %scan3A_71 = arith.constant 0 : i32
      %scan3A_72 = arith.constant 16 : i32
      %scan3A_73 = arith.addi %scan3A_71, %scan3A_72 : i32
      %scan3A_74 = arith.constant 1 : i32
      %scan3A_75:5 = scf.for %scan3A_129 = %scan3A_71 to %scan3A_73 step %scan3A_74 iter_args(%scan3A_130 = %select_n3A_66, %scan3A_131 = %scan3A_67, %scan3A_132 = %scan3A_68, %scan3A_133 = %scan3A_69, %scan3A_134 = %scan3A_70) -> (i32, i32, i32, i32, i32)  : i32 {
        %eq3A_135 = arith.constant 0 : i32
        %eq3A_136 = arith.cmpi eq, %scan3A_129, %eq3A_135 : i32
        %eq3A_137 = arith.constant 15 : i32
        %eq3A_138 = arith.cmpi eq, %scan3A_129, %eq3A_137 : i32
        %add3A_139 = arith.addi %scan3A_134, %mul3A_10 : i32
        %sub3A_140 = arith.constant 1 : i32
        %sub3A_141 = arith.subi %scan3A_134, %sub3A_140 : i32
        %select_n3A_142 = arith.constant true
        %select_n3A_143 = arith.select %select_n3A_142, %sub3A_141, %scan3A_134 : i32
        %eq3A_144 = arith.constant -1 : i32
        %eq3A_145 = arith.cmpi eq, %select_n3A_143, %eq3A_144 : i32
        %select_n3A_146 = arith.constant 15 : i32
        %select_n3A_147 = arith.select %eq3A_145, %select_n3A_146, %select_n3A_143 : i32
        %add3A_148 = arith.addi %select_n3A_147, %mul3A_10 : i32
        %add3A_149 = arith.constant 1 : i32
        %add3A_150 = arith.addi %scan3A_134, %add3A_149 : i32
        %select_n3A_151 = arith.constant true
        %select_n3A_152 = arith.select %select_n3A_151, %add3A_150, %scan3A_134 : i32
        %eq3A_153 = arith.constant 16 : i32
        %eq3A_154 = arith.cmpi eq, %select_n3A_152, %eq3A_153 : i32
        %select_n3A_155 = arith.constant 0 : i32
        %select_n3A_156 = arith.select %eq3A_154, %select_n3A_155, %select_n3A_152 : i32
        %add3A_157 = arith.addi %select_n3A_156, %mul3A_10 : i32
        %add3A_158 = arith.constant 1 : i32
        %add3A_159 = arith.addi %select_n3A_156, %add3A_158 : i32
        %select_n3A_160 = arith.constant true
        %select_n3A_161 = arith.select %select_n3A_160, %add3A_159, %select_n3A_156 : i32
        %eq3A_162 = arith.constant 16 : i32
        %eq3A_163 = arith.cmpi eq, %select_n3A_161, %eq3A_162 : i32
        %select_n3A_164 = arith.constant 0 : i32
        %select_n3A_165 = arith.select %eq3A_163, %select_n3A_164, %select_n3A_161 : i32
        %add3A_166 = arith.addi %select_n3A_165, %mul3A_10 : i32
        %ne3A = arith.cmpi ne, %add3A_139, %add3A_157 : i32
        %or3A = arith.constant false
        %or3A_167 = arith.ori %or3A, %ne3A : i1
        %ge3A = arith.constant 15 : i32
        %ge3A_168 = arith.cmpi sge, %scan3A_129, %ge3A : i32
        %not3A = arith.constant true
        %not3A_169 = arith.xori %ge3A_168, %not3A : i1
        %and3A = arith.andi %or3A_167, %not3A_169 : i1
        %convert_element_type3A = arith.extui %and3A : i1 to i32
        %cond3A = arith.constant 0 : i32
        %cond3A_170 = arith.cmpi ne, %convert_element_type3A, %cond3A : i32
        scf.if %cond3A_170 {
          "tpu.trace_start"() <{level = 10 : i32, message = "ep_copy_in"}> : () -> ()
          %rem3A_277 = arith.constant 2 : i32
          %rem3A_278 = arith.remui %scan3A_130, %rem3A_277 : i32
          %mul3A_279 = arith.constant 256 : i32
          %mul3A_280 = arith.muli %mul3A_279, %add3A_157 : i32
          %dma_start3A_281 = arith.constant 0 : i32
          %dma_start3A_282 = arith.constant 0 : i32
          %dma_start3A_283 = tpu.memref_slice %run_scoped3A[%rem3A_278, %dma_start3A_281, %dma_start3A_282] : memref<2x1x256xi32, #tpu.memory_space<vmem>> -> memref<1x1x256xi32, #tpu.memory_space<vmem>>
          %dma_start3A_284 = tpu.memref_squeeze %dma_start3A_283 : memref<1x1x256xi32, #tpu.memory_space<vmem>> -> memref<1x256xi32, #tpu.memory_space<vmem>>
          %dma_start3A_285 = arith.constant 0 : i32
          %dma_start3A_286 = tpu.memref_slice %arg3[%dma_start3A_285, %mul3A_280] : memref<1x131072xi32, #tpu.memory_space<hbm>> -> memref<1x256xi32, #tpu.memory_space<hbm>>
          %dma_start3A_287 = tpu.memref_slice %run_scoped3A_14[%rem3A_278] : memref<2x!tpu.dma_semaphore, #tpu.memory_space<semaphore_mem>> -> memref<1x!tpu.dma_semaphore, #tpu.memory_space<semaphore_mem>>
          %dma_start3A_288 = tpu.memref_squeeze %dma_start3A_287 : memref<1x!tpu.dma_semaphore, #tpu.memory_space<semaphore_mem>> -> memref<!tpu.dma_semaphore, #tpu.memory_space<semaphore_mem>>
          %dma_start3A_289 = arith.constant 0 : i32
          %dma_start3A_290 = arith.constant 0 : i32
          %dma_start3A_291 = tpu.memref_slice %run_scoped3A[%rem3A_278, %dma_start3A_289, %dma_start3A_290] : memref<2x1x256xi32, #tpu.memory_space<vmem>> -> memref<1x1x256xi32, #tpu.memory_space<vmem>>
          %dma_start3A_292 = tpu.memref_squeeze %dma_start3A_291 : memref<1x1x256xi32, #tpu.memory_space<vmem>> -> memref<1x256xi32, #tpu.memory_space<vmem>>
          %dma_start3A_293 = arith.constant 0 : i32
          %dma_start3A_294 = tpu.memref_slice %arg3[%dma_start3A_293, %mul3A_280] : memref<1x131072xi32, #tpu.memory_space<hbm>> -> memref<1x256xi32, #tpu.memory_space<hbm>>
          tpu.enqueue_dma source(%dma_start3A_294 : memref<1x256xi32, #tpu.memory_space<hbm>>) target(%dma_start3A_292 : memref<1x256xi32, #tpu.memory_space<vmem>>) target_semaphore(%dma_start3A_288 : memref<!tpu.dma_semaphore, #tpu.memory_space<semaphore_mem>>)
          "tpu.trace_stop"() : () -> ()
        } else {
        }
        %and3A_171 = arith.constant true
        %and3A_172 = arith.andi %and3A, %and3A_171 : i1
        %add3A_173 = arith.constant 1 : i32
        %add3A_174 = arith.addi %scan3A_130, %add3A_173 : i32
        %select_n3A_175 = arith.select %and3A_172, %add3A_174, %scan3A_130 : i32
        %ne3A_176 = arith.cmpi ne, %add3A_139, %add3A_157 : i32
        %or3A_177 = arith.constant false
        %or3A_178 = arith.ori %or3A_177, %ne3A_176 : i1
        %or3A_179 = arith.constant false
        %or3A_180 = arith.ori %or3A_178, %or3A_179 : i1
        %ge3A_181 = arith.constant 15 : i32
        %ge3A_182 = arith.cmpi sge, %scan3A_129, %ge3A_181 : i32
        %not3A_183 = arith.constant true
        %not3A_184 = arith.xori %ge3A_182, %not3A_183 : i1
        %and3A_185 = arith.andi %or3A_180, %not3A_184 : i1
        %ne3A_186 = arith.cmpi ne, %add3A_139, %add3A_148 : i32
        %or3A_187 = arith.constant false
        %or3A_188 = arith.ori %or3A_187, %ne3A_186 : i1
        %or3A_189 = arith.ori %or3A_188, %eq3A_136 : i1
        %convert_element_type3A_190 = arith.extui %or3A_189 : i1 to i32
        %cond3A_191 = arith.constant 0 : i32
        %cond3A_192 = arith.cmpi ne, %convert_element_type3A_190, %cond3A_191 : i32
        scf.if %cond3A_192 {
          "tpu.trace_start"() <{level = 10 : i32, message = "ep_wait_in"}> : () -> ()
          %mul3A_277 = arith.constant 256 : i32
          %mul3A_278 = arith.muli %mul3A_277, %add3A_139 : i32
          %rem3A_279 = arith.constant 2 : i32
          %rem3A_280 = arith.remui %scan3A_131, %rem3A_279 : i32
          %dma_wait3A_281 = arith.constant 0 : i32
          %dma_wait3A_282 = arith.constant 0 : i32
          %dma_wait3A_283 = tpu.memref_slice %run_scoped3A[%rem3A_280, %dma_wait3A_281, %dma_wait3A_282] : memref<2x1x256xi32, #tpu.memory_space<vmem>> -> memref<1x1x256xi32, #tpu.memory_space<vmem>>
          %dma_wait3A_284 = tpu.memref_squeeze %dma_wait3A_283 : memref<1x1x256xi32, #tpu.memory_space<vmem>> -> memref<1x256xi32, #tpu.memory_space<vmem>>
          %dma_wait3A_285 = arith.constant 0 : i32
          %dma_wait3A_286 = tpu.memref_slice %arg3[%dma_wait3A_285, %mul3A_278] : memref<1x131072xi32, #tpu.memory_space<hbm>> -> memref<1x256xi32, #tpu.memory_space<hbm>>
          %dma_wait3A_287 = tpu.memref_slice %run_scoped3A_14[%rem3A_280] : memref<2x!tpu.dma_semaphore, #tpu.memory_space<semaphore_mem>> -> memref<1x!tpu.dma_semaphore, #tpu.memory_space<semaphore_mem>>
          %dma_wait3A_288 = tpu.memref_squeeze %dma_wait3A_287 : memref<1x!tpu.dma_semaphore, #tpu.memory_space<semaphore_mem>> -> memref<!tpu.dma_semaphore, #tpu.memory_space<semaphore_mem>>
          %dma_wait3A_289 = arith.constant 0 : i32
          %dma_wait3A_290 = arith.constant 0 : i32
          %dma_wait3A_291 = tpu.memref_slice %run_scoped3A[%rem3A_280, %dma_wait3A_289, %dma_wait3A_290] : memref<2x1x256xi32, #tpu.memory_space<vmem>> -> memref<1x1x256xi32, #tpu.memory_space<vmem>>
          %dma_wait3A_292 = tpu.memref_squeeze %dma_wait3A_291 : memref<1x1x256xi32, #tpu.memory_space<vmem>> -> memref<1x256xi32, #tpu.memory_space<vmem>>
          %dma_wait3A_293 = arith.constant 0 : i32
          %dma_wait3A_294 = tpu.memref_slice %arg3[%dma_wait3A_293, %mul3A_278] : memref<1x131072xi32, #tpu.memory_space<hbm>> -> memref<1x256xi32, #tpu.memory_space<hbm>>
          tpu.wait_dma2 semaphore(%dma_wait3A_288 : memref<!tpu.dma_semaphore, #tpu.memory_space<semaphore_mem>>) src(%dma_wait3A_294 : memref<1x256xi32, #tpu.memory_space<hbm>>) dst(%dma_wait3A_292 : memref<1x256xi32, #tpu.memory_space<vmem>>)
          "tpu.trace_stop"() : () -> ()
        } else {
        }
        %ne3A_193 = arith.cmpi ne, %add3A_139, %add3A_148 : i32
        %or3A_194 = arith.constant false
        %or3A_195 = arith.ori %or3A_194, %ne3A_193 : i1
        %or3A_196 = arith.constant false
        %or3A_197 = arith.ori %or3A_195, %or3A_196 : i1
        %or3A_198 = arith.ori %or3A_197, %eq3A_136 : i1
        %convert_element_type3A_199 = arith.extui %or3A_198 : i1 to i32
        %cond3A_200 = arith.constant 0 : i32
        %cond3A_201 = arith.cmpi ne, %convert_element_type3A_199, %cond3A_200 : i32
        scf.if %cond3A_201 {
        } else {
        }
        %rem3A_202 = arith.constant 2 : i32
        %rem3A_203 = arith.remui %scan3A_131, %rem3A_202 : i32
        %rem3A_204 = arith.constant 2 : i32
        %rem3A_205 = arith.remui %scan3A_132, %rem3A_204 : i32
        %run_scoped3A_206 = arith.constant 0 : i32
        "tpu.trace_start"() <{level = 10 : i32, message = "ep_run_kernel"}> : () -> ()
        "tpu.region"() ({
          %run_scoped3A_277 = tpu.sem_alloc : memref<!tpu.dma_semaphore, #tpu.memory_space<semaphore_mem>>
          %dma_start3A_278 = arith.constant 0 : i32
          %dma_start3A_279 = arith.constant 0 : i32
          %dma_start3A_280 = tpu.memref_slice %run_scoped3A_15[%rem3A_205, %dma_start3A_278, %dma_start3A_279] : memref<2x256x128xf32, #tpu.memory_space<vmem>> -> memref<1x256x128xf32, #tpu.memory_space<vmem>>
          %dma_start3A_281 = tpu.memref_squeeze %dma_start3A_280 : memref<1x256x128xf32, #tpu.memory_space<vmem>> -> memref<256x128xf32, #tpu.memory_space<vmem>>
          %dma_start3A_282 = arith.constant 0 : i32
          %dma_start3A_283 = arith.constant 0 : i32
          %dma_start3A_284 = tpu.memref_slice %run_scoped3A[%rem3A_203, %dma_start3A_282, %dma_start3A_283] : memref<2x1x256xi32, #tpu.memory_space<vmem>> -> memref<1x1x256xi32, #tpu.memory_space<vmem>>
          %dma_start3A_285 = tpu.memref_squeeze %dma_start3A_284 : memref<1x1x256xi32, #tpu.memory_space<vmem>> -> memref<1x256xi32, #tpu.memory_space<vmem>>
          %dma_start3A_286 = arith.constant 0 : i32
          %dma_start3A_287 = tpu.memref_slice %dma_start3A_285[%run_scoped3A_206, %dma_start3A_286] : memref<1x256xi32, #tpu.memory_space<vmem>> -> memref<1x256xi32, #tpu.memory_space<vmem>>
          %dma_start3A_288 = tpu.memref_squeeze %dma_start3A_287 : memref<1x256xi32, #tpu.memory_space<vmem>> -> memref<256xi32, #tpu.memory_space<vmem>>
          %dma_start3A_289 = arith.constant 0 : i32
          %dma_start3A_290 = arith.constant 0 : i32
          %dma_start3A_291 = tpu.memref_slice %arg2[%dma_start3A_289, %dma_start3A_290] : memref<1024x128xf32, #tpu.memory_space<hbm>> -> memref<1024x128xf32, #tpu.memory_space<hbm>>
          tpu.enqueue_indirect_dma source(%dma_start3A_291 : memref<1024x128xf32, #tpu.memory_space<hbm>>) target(%dma_start3A_281 : memref<256x128xf32, #tpu.memory_space<vmem>>) offsets(%dma_start3A_288 : memref<256xi32, #tpu.memory_space<vmem>>) semaphore(%run_scoped3A_277 : memref<!tpu.dma_semaphore, #tpu.memory_space<semaphore_mem>>)
          %dma_wait3A_292 = arith.constant 0 : i32
          %dma_wait3A_293 = arith.constant 0 : i32
          %dma_wait3A_294 = tpu.memref_slice %run_scoped3A_15[%rem3A_205, %dma_wait3A_292, %dma_wait3A_293] : memref<2x256x128xf32, #tpu.memory_space<vmem>> -> memref<1x256x128xf32, #tpu.memory_space<vmem>>
          %dma_wait3A_295 = tpu.memref_squeeze %dma_wait3A_294 : memref<1x256x128xf32, #tpu.memory_space<vmem>> -> memref<256x128xf32, #tpu.memory_space<vmem>>
          %dma_wait3A_296 = arith.constant 0 : i32
          %dma_wait3A_297 = arith.constant 0 : i32
          %dma_wait3A_298 = tpu.memref_slice %run_scoped3A[%rem3A_203, %dma_wait3A_296, %dma_wait3A_297] : memref<2x1x256xi32, #tpu.memory_space<vmem>> -> memref<1x1x256xi32, #tpu.memory_space<vmem>>
          %dma_wait3A_299 = tpu.memref_squeeze %dma_wait3A_298 : memref<1x1x256xi32, #tpu.memory_space<vmem>> -> memref<1x256xi32, #tpu.memory_space<vmem>>
          %dma_wait3A_300 = arith.constant 0 : i32
          %dma_wait3A_301 = tpu.memref_slice %dma_wait3A_299[%run_scoped3A_206, %dma_wait3A_300] : memref<1x256xi32, #tpu.memory_space<vmem>> -> memref<1x256xi32, #tpu.memory_space<vmem>>
          %dma_wait3A_302 = tpu.memref_squeeze %dma_wait3A_301 : memref<1x256xi32, #tpu.memory_space<vmem>> -> memref<256xi32, #tpu.memory_space<vmem>>
          %dma_wait3A_303 = arith.constant 0 : i32
          %dma_wait3A_304 = arith.constant 0 : i32
          %dma_wait3A_305 = tpu.memref_slice %arg2[%dma_wait3A_303, %dma_wait3A_304] : memref<1024x128xf32, #tpu.memory_space<hbm>> -> memref<1024x128xf32, #tpu.memory_space<hbm>>
          tpu.wait_indirect_dma semaphore(%run_scoped3A_277 : memref<!tpu.dma_semaphore, #tpu.memory_space<semaphore_mem>>) src(%dma_wait3A_305 : memref<1024x128xf32, #tpu.memory_space<hbm>>) dst(%dma_wait3A_295 : memref<256x128xf32, #tpu.memory_space<vmem>>)
          tpu.yield
        }) : () -> ()
        %scan3A_207 = arith.constant 0 : i32
        %scan3A_208 = arith.constant 16 : i32
        %scan3A_209 = arith.addi %scan3A_207, %scan3A_208 : i32
        %scan3A_210 = arith.constant 1 : i32
        scf.for %scan3A_277 = %scan3A_207 to %scan3A_209 step %scan3A_210  : i32 {
          %mul3A_278 = arith.constant 16 : i32
          %mul3A_279 = arith.muli %scan3A_277, %mul3A_278 : i32
          %add3A_280 = arith.constant 0 : i32
          %add3A_281 = arith.addi %add3A_280, %mul3A_279 : i32
          %get3A = arith.constant 0 : i32
          %get3A_282 = arith.constant 0 : i32
          %get3A_283 = arith.constant 0 : i32
          %get3A_284 = tpu.memref_slice %run_scoped3A[%rem3A_203, %get3A_282, %get3A_283] : memref<2x1x256xi32, #tpu.memory_space<vmem>> -> memref<1x1x256xi32, #tpu.memory_space<vmem>>
          %get3A_285 = tpu.memref_squeeze %get3A_284 : memref<1x1x256xi32, #tpu.memory_space<vmem>> -> memref<1x256xi32, #tpu.memory_space<vmem>>
          %get3A_286 = arith.index_cast %get3A : i32 to index
          %get3A_287 = arith.index_cast %add3A_281 : i32 to index
          %get3A_288 = tpu.vector_load %get3A_285[%get3A_286, %get3A_287] {strides = array<i32>} : memref<1x256xi32, #tpu.memory_space<vmem>>, vector<16xi32>,
          %broadcast_in_dim3A = arith.constant 1.000000e+00 : f32
          %broadcast_in_dim3A_289 = vector.broadcast %broadcast_in_dim3A : f32 to vector<16xf32>
          tpu.vector_store_idx %arg6[%get3A_288], %broadcast_in_dim3A_289 {add = true} : memref<1024xf32, #tpu.memory_space<vmem>>[vector<16xi32>], vector<16xf32>,
        }
        %scan3A_211 = arith.constant 16 : i32
        "tpu.trace_stop"() : () -> ()
        %ne3A_212 = arith.cmpi ne, %add3A_139, %add3A_157 : i32
        %or3A_213 = arith.constant false
        %or3A_214 = arith.ori %or3A_213, %ne3A_212 : i1
        %or3A_215 = arith.ori %or3A_214, %eq3A_138 : i1
        %convert_element_type3A_216 = arith.extui %or3A_215 : i1 to i32
        %cond3A_217 = arith.constant 0 : i32
        %cond3A_218 = arith.cmpi ne, %convert_element_type3A_216, %cond3A_217 : i32
        scf.if %cond3A_218 {
        } else {
        }
        %and3A_219 = arith.constant false
        %and3A_220 = arith.andi %or3A_215, %and3A_219 : i1
        %ne3A_221 = arith.cmpi ne, %add3A_139, %add3A_157 : i32
        %or3A_222 = arith.constant false
        %or3A_223 = arith.ori %or3A_222, %ne3A_221 : i1
        %or3A_224 = arith.constant false
        %or3A_225 = arith.ori %or3A_223, %or3A_224 : i1
        %or3A_226 = arith.ori %or3A_225, %eq3A_138 : i1
        %convert_element_type3A_227 = arith.extui %or3A_226 : i1 to i32
        %cond3A_228 = arith.constant 0 : i32
        %cond3A_229 = arith.cmpi ne, %convert_element_type3A_227, %cond3A_228 : i32
        scf.if %cond3A_229 {
          "tpu.trace_start"() <{level = 10 : i32, message = "ep_copy_out"}> : () -> ()
          %rem3A_277 = arith.constant 2 : i32
          %rem3A_278 = arith.remui %scan3A_132, %rem3A_277 : i32
          %mul3A_279 = arith.constant 256 : i32
          %mul3A_280 = arith.muli %mul3A_279, %add3A_139 : i32
          %dma_start3A_281 = arith.constant 0 : i32
          %dma_start3A_282 = arith.constant 0 : i32
          %dma_start3A_283 = tpu.memref_slice %run_scoped3A_15[%rem3A_278, %dma_start3A_281, %dma_start3A_282] : memref<2x256x128xf32, #tpu.memory_space<vmem>> -> memref<1x256x128xf32, #tpu.memory_space<vmem>>
          %dma_start3A_284 = tpu.memref_squeeze %dma_start3A_283 : memref<1x256x128xf32, #tpu.memory_space<vmem>> -> memref<256x128xf32, #tpu.memory_space<vmem>>
          %dma_start3A_285 = arith.constant 0 : i32
          %dma_start3A_286 = tpu.memref_slice %arg4[%mul3A_280, %dma_start3A_285] : memref<131072x128xf32, #tpu.memory_space<hbm>> -> memref<256x128xf32, #tpu.memory_space<hbm>>
          %dma_start3A_287 = tpu.memref_slice %run_scoped3A_16[%rem3A_278] : memref<2x!tpu.dma_semaphore, #tpu.memory_space<semaphore_mem>> -> memref<1x!tpu.dma_semaphore, #tpu.memory_space<semaphore_mem>>
          %dma_start3A_288 = tpu.memref_squeeze %dma_start3A_287 : memref<1x!tpu.dma_semaphore, #tpu.memory_space<semaphore_mem>> -> memref<!tpu.dma_semaphore, #tpu.memory_space<semaphore_mem>>
          %dma_start3A_289 = arith.constant 0 : i32
          %dma_start3A_290 = tpu.memref_slice %arg4[%mul3A_280, %dma_start3A_289] : memref<131072x128xf32, #tpu.memory_space<hbm>> -> memref<256x128xf32, #tpu.memory_space<hbm>>
          %dma_start3A_291 = arith.constant 0 : i32
          %dma_start3A_292 = arith.constant 0 : i32
          %dma_start3A_293 = tpu.memref_slice %run_scoped3A_15[%rem3A_278, %dma_start3A_291, %dma_start3A_292] : memref<2x256x128xf32, #tpu.memory_space<vmem>> -> memref<1x256x128xf32, #tpu.memory_space<vmem>>
          %dma_start3A_294 = tpu.memref_squeeze %dma_start3A_293 : memref<1x256x128xf32, #tpu.memory_space<vmem>> -> memref<256x128xf32, #tpu.memory_space<vmem>>
          tpu.enqueue_dma source(%dma_start3A_294 : memref<256x128xf32, #tpu.memory_space<vmem>>) target(%dma_start3A_290 : memref<256x128xf32, #tpu.memory_space<hbm>>) target_semaphore(%dma_start3A_288 : memref<!tpu.dma_semaphore, #tpu.memory_space<semaphore_mem>>)
          "tpu.trace_stop"() : () -> ()
        } else {
        }
        %and3A_230 = arith.constant true
        %and3A_231 = arith.andi %or3A_226, %and3A_230 : i1
        %add3A_232 = arith.constant 1 : i32
        %add3A_233 = arith.addi %scan3A_132, %add3A_232 : i32
        %select_n3A_234 = arith.select %and3A_231, %add3A_233, %scan3A_132 : i32
        %ne3A_235 = arith.cmpi ne, %add3A_139, %add3A_148 : i32
        %or3A_236 = arith.constant false
        %or3A_237 = arith.ori %or3A_236, %ne3A_235 : i1
        %not3A_238 = arith.constant true
        %not3A_239 = arith.xori %eq3A_136, %not3A_238 : i1
        %and3A_240 = arith.andi %or3A_237, %not3A_239 : i1
        %convert_element_type3A_241 = arith.extui %and3A_240 : i1 to i32
        %cond3A_242 = arith.constant 0 : i32
        %cond3A_243 = arith.cmpi ne, %convert_element_type3A_241, %cond3A_242 : i32
        scf.if %cond3A_243 {
        } else {
        }
        %and3A_244 = arith.constant false
        %and3A_245 = arith.andi %and3A_240, %and3A_244 : i1
        %ne3A_246 = arith.cmpi ne, %add3A_139, %add3A_148 : i32
        %or3A_247 = arith.constant false
        %or3A_248 = arith.ori %or3A_247, %ne3A_246 : i1
        %or3A_249 = arith.constant false
        %or3A_250 = arith.ori %or3A_248, %or3A_249 : i1
        %not3A_251 = arith.constant true
        %not3A_252 = arith.xori %eq3A_136, %not3A_251 : i1
        %and3A_253 = arith.andi %or3A_250, %not3A_252 : i1
        %convert_element_type3A_254 = arith.extui %and3A_253 : i1 to i32
        %cond3A_255 = arith.constant 0 : i32
        %cond3A_256 = arith.cmpi ne, %convert_element_type3A_254, %cond3A_255 : i32
        scf.if %cond3A_256 {
          "tpu.trace_start"() <{level = 10 : i32, message = "ep_wait_out"}> : () -> ()
          %rem3A_277 = arith.constant 2 : i32
          %rem3A_278 = arith.remui %scan3A_133, %rem3A_277 : i32
          %mul3A_279 = arith.constant 256 : i32
          %mul3A_280 = arith.muli %mul3A_279, %add3A_148 : i32
          %dma_wait3A_281 = arith.constant 0 : i32
          %dma_wait3A_282 = arith.constant 0 : i32
          %dma_wait3A_283 = tpu.memref_slice %run_scoped3A_15[%rem3A_278, %dma_wait3A_281, %dma_wait3A_282] : memref<2x256x128xf32, #tpu.memory_space<vmem>> -> memref<1x256x128xf32, #tpu.memory_space<vmem>>
          %dma_wait3A_284 = tpu.memref_squeeze %dma_wait3A_283 : memref<1x256x128xf32, #tpu.memory_space<vmem>> -> memref<256x128xf32, #tpu.memory_space<vmem>>
          %dma_wait3A_285 = arith.constant 0 : i32
          %dma_wait3A_286 = tpu.memref_slice %arg4[%mul3A_280, %dma_wait3A_285] : memref<131072x128xf32, #tpu.memory_space<hbm>> -> memref<256x128xf32, #tpu.memory_space<hbm>>
          %dma_wait3A_287 = tpu.memref_slice %run_scoped3A_16[%rem3A_278] : memref<2x!tpu.dma_semaphore, #tpu.memory_space<semaphore_mem>> -> memref<1x!tpu.dma_semaphore, #tpu.memory_space<semaphore_mem>>
          %dma_wait3A_288 = tpu.memref_squeeze %dma_wait3A_287 : memref<1x!tpu.dma_semaphore, #tpu.memory_space<semaphore_mem>> -> memref<!tpu.dma_semaphore, #tpu.memory_space<semaphore_mem>>
          %dma_wait3A_289 = arith.constant 0 : i32
          %dma_wait3A_290 = tpu.memref_slice %arg4[%mul3A_280, %dma_wait3A_289] : memref<131072x128xf32, #tpu.memory_space<hbm>> -> memref<256x128xf32, #tpu.memory_space<hbm>>
          %dma_wait3A_291 = arith.constant 0 : i32
          %dma_wait3A_292 = arith.constant 0 : i32
          %dma_wait3A_293 = tpu.memref_slice %run_scoped3A_15[%rem3A_278, %dma_wait3A_291, %dma_wait3A_292] : memref<2x256x128xf32, #tpu.memory_space<vmem>> -> memref<1x256x128xf32, #tpu.memory_space<vmem>>
          %dma_wait3A_294 = tpu.memref_squeeze %dma_wait3A_293 : memref<1x256x128xf32, #tpu.memory_space<vmem>> -> memref<256x128xf32, #tpu.memory_space<vmem>>
          tpu.wait_dma2 semaphore(%dma_wait3A_288 : memref<!tpu.dma_semaphore, #tpu.memory_space<semaphore_mem>>) src(%dma_wait3A_294 : memref<256x128xf32, #tpu.memory_space<vmem>>) dst(%dma_wait3A_290 : memref<256x128xf32, #tpu.memory_space<hbm>>)
          "tpu.trace_stop"() : () -> ()
        } else {
        }
        %and3A_257 = arith.constant true
        %and3A_258 = arith.andi %and3A_253, %and3A_257 : i1
        %add3A_259 = arith.constant 1 : i32
        %add3A_260 = arith.addi %scan3A_133, %add3A_259 : i32
        %select_n3A_261 = arith.select %and3A_258, %add3A_260, %scan3A_133 : i32
        %ne3A_262 = arith.cmpi ne, %add3A_139, %add3A_157 : i32
        %or3A_263 = arith.constant false
        %or3A_264 = arith.ori %or3A_263, %ne3A_262 : i1
        %or3A_265 = arith.ori %or3A_264, %eq3A_138 : i1
        %add3A_266 = arith.constant 1 : i32
        %add3A_267 = arith.addi %scan3A_131, %add3A_266 : i32
        %select_n3A_268 = arith.select %or3A_265, %add3A_267, %scan3A_131 : i32
        %add3A_269 = arith.constant 1 : i32
        %add3A_270 = arith.addi %scan3A_134, %add3A_269 : i32
        %select_n3A_271 = arith.constant true
        %select_n3A_272 = arith.select %select_n3A_271, %add3A_270, %scan3A_134 : i32
        %eq3A_273 = arith.constant 16 : i32
        %eq3A_274 = arith.cmpi eq, %select_n3A_272, %eq3A_273 : i32
        %select_n3A_275 = arith.constant 0 : i32
        %select_n3A_276 = arith.select %eq3A_274, %select_n3A_275, %select_n3A_272 : i32
        scf.yield %select_n3A_175, %select_n3A_268, %select_n3A_234, %select_n3A_261, %select_n3A_276 : i32, i32, i32, i32, i32
      }
      %scan3A_76 = arith.constant 16 : i32
      %sub3A = arith.constant 1 : i32
      %sub3A_77 = arith.subi %scan3A_75#4, %sub3A : i32
      %select_n3A_78 = arith.constant true
      %select_n3A_79 = arith.select %select_n3A_78, %sub3A_77, %scan3A_75#4 : i32
      %eq3A_80 = arith.constant -1 : i32
      %eq3A_81 = arith.cmpi eq, %select_n3A_79, %eq3A_80 : i32
      %select_n3A_82 = arith.constant 15 : i32
      %select_n3A_83 = arith.select %eq3A_81, %select_n3A_82, %select_n3A_79 : i32
      %add3A_84 = arith.addi %select_n3A_83, %mul3A_10 : i32
      %sub3A_85 = arith.constant 1 : i32
      %sub3A_86 = arith.subi %select_n3A_83, %sub3A_85 : i32
      %select_n3A_87 = arith.constant true
      %select_n3A_88 = arith.select %select_n3A_87, %sub3A_86, %select_n3A_83 : i32
      %eq3A_89 = arith.constant -1 : i32
      %eq3A_90 = arith.cmpi eq, %select_n3A_88, %eq3A_89 : i32
      %select_n3A_91 = arith.constant 15 : i32
      %select_n3A_92 = arith.select %eq3A_90, %select_n3A_91, %select_n3A_88 : i32
      %add3A_93 = arith.addi %select_n3A_92, %mul3A_10 : i32
      %add3A_94 = arith.constant 1 : i32
      %add3A_95 = arith.addi %select_n3A_83, %add3A_94 : i32
      %select_n3A_96 = arith.constant true
      %select_n3A_97 = arith.select %select_n3A_96, %add3A_95, %select_n3A_83 : i32
      %eq3A_98 = arith.constant 16 : i32
      %eq3A_99 = arith.cmpi eq, %select_n3A_97, %eq3A_98 : i32
      %select_n3A_100 = arith.constant 0 : i32
      %select_n3A_101 = arith.select %eq3A_99, %select_n3A_100, %select_n3A_97 : i32
      %add3A_102 = arith.addi %select_n3A_101, %mul3A_10 : i32
      %add3A_103 = arith.constant 1 : i32
      %add3A_104 = arith.addi %select_n3A_101, %add3A_103 : i32
      %select_n3A_105 = arith.constant true
      %select_n3A_106 = arith.select %select_n3A_105, %add3A_104, %select_n3A_101 : i32
      %eq3A_107 = arith.constant 16 : i32
      %eq3A_108 = arith.cmpi eq, %select_n3A_106, %eq3A_107 : i32
      %select_n3A_109 = arith.constant 0 : i32
      %select_n3A_110 = arith.select %eq3A_108, %select_n3A_109, %select_n3A_106 : i32
      %add3A_111 = arith.addi %select_n3A_110, %mul3A_10 : i32
      "tpu.trace_start"() <{level = 10 : i32, message = "ep_finalize"}> : () -> ()
      %rem3A_112 = arith.constant 2 : i32
      %rem3A_113 = arith.remui %scan3A_75#3, %rem3A_112 : i32
      %mul3A_114 = arith.constant 256 : i32
      %mul3A_115 = arith.muli %mul3A_114, %add3A_84 : i32
      %dma_wait3A = arith.constant 0 : i32
      %dma_wait3A_116 = arith.constant 0 : i32
      %dma_wait3A_117 = tpu.memref_slice %run_scoped3A_15[%rem3A_113, %dma_wait3A, %dma_wait3A_116] : memref<2x256x128xf32, #tpu.memory_space<vmem>> -> memref<1x256x128xf32, #tpu.memory_space<vmem>>
      %dma_wait3A_118 = tpu.memref_squeeze %dma_wait3A_117 : memref<1x256x128xf32, #tpu.memory_space<vmem>> -> memref<256x128xf32, #tpu.memory_space<vmem>>
      %dma_wait3A_119 = arith.constant 0 : i32
      %dma_wait3A_120 = tpu.memref_slice %arg4[%mul3A_115, %dma_wait3A_119] : memref<131072x128xf32, #tpu.memory_space<hbm>> -> memref<256x128xf32, #tpu.memory_space<hbm>>
      %dma_wait3A_121 = tpu.memref_slice %run_scoped3A_16[%rem3A_113] : memref<2x!tpu.dma_semaphore, #tpu.memory_space<semaphore_mem>> -> memref<1x!tpu.dma_semaphore, #tpu.memory_space<semaphore_mem>>
      %dma_wait3A_122 = tpu.memref_squeeze %dma_wait3A_121 : memref<1x!tpu.dma_semaphore, #tpu.memory_space<semaphore_mem>> -> memref<!tpu.dma_semaphore, #tpu.memory_space<semaphore_mem>>
      %dma_wait3A_123 = arith.constant 0 : i32
      %dma_wait3A_124 = tpu.memref_slice %arg4[%mul3A_115, %dma_wait3A_123] : memref<131072x128xf32, #tpu.memory_space<hbm>> -> memref<256x128xf32, #tpu.memory_space<hbm>>
      %dma_wait3A_125 = arith.constant 0 : i32
      %dma_wait3A_126 = arith.constant 0 : i32
      %dma_wait3A_127 = tpu.memref_slice %run_scoped3A_15[%rem3A_113, %dma_wait3A_125, %dma_wait3A_126] : memref<2x256x128xf32, #tpu.memory_space<vmem>> -> memref<1x256x128xf32, #tpu.memory_space<vmem>>
      %dma_wait3A_128 = tpu.memref_squeeze %dma_wait3A_127 : memref<1x256x128xf32, #tpu.memory_space<vmem>> -> memref<256x128xf32, #tpu.memory_space<vmem>>
      tpu.wait_dma2 semaphore(%dma_wait3A_122 : memref<!tpu.dma_semaphore, #tpu.memory_space<semaphore_mem>>) src(%dma_wait3A_128 : memref<256x128xf32, #tpu.memory_space<vmem>>) dst(%dma_wait3A_124 : memref<256x128xf32, #tpu.memory_space<hbm>>)
      "tpu.trace_stop"() : () -> ()
      tpu.yield
    }) : () -> ()
    %mul3A_11 = arith.constant 16 : i32
    %mul3A_12 = arith.muli %arg0, %mul3A_11 : i32
    %add3A_13 = arith.addi %mul3A_12, %arg1 : i32
    "tpu.region"() ({
      %run_scoped3A = tpu.sem_alloc : memref<!tpu.dma_semaphore, #tpu.memory_space<semaphore_mem>>
      %dma_start3A = arith.constant 0 : i32
      %dma_start3A_14 = tpu.memref_slice %arg5[%add3A_13, %dma_start3A] : memref<32x1024xf32, #tpu.memory_space<hbm>> -> memref<1x1024xf32, #tpu.memory_space<hbm>>
      %dma_start3A_15 = tpu.memref_squeeze %dma_start3A_14 : memref<1x1024xf32, #tpu.memory_space<hbm>> -> memref<1024xf32, #tpu.memory_space<hbm>>
      %dma_start3A_16 = arith.constant 0 : i32
      %dma_start3A_17 = tpu.memref_slice %arg5[%add3A_13, %dma_start3A_16] : memref<32x1024xf32, #tpu.memory_space<hbm>> -> memref<1x1024xf32, #tpu.memory_space<hbm>>
      %dma_start3A_18 = tpu.memref_squeeze %dma_start3A_17 : memref<1x1024xf32, #tpu.memory_space<hbm>> -> memref<1024xf32, #tpu.memory_space<hbm>>
      tpu.enqueue_dma source(%arg6 : memref<1024xf32, #tpu.memory_space<vmem>>) target(%dma_start3A_18 : memref<1024xf32, #tpu.memory_space<hbm>>) target_semaphore(%run_scoped3A : memref<!tpu.dma_semaphore, #tpu.memory_space<semaphore_mem>>)
      %dma_wait3A = arith.constant 0 : i32
      %dma_wait3A_19 = tpu.memref_slice %arg5[%add3A_13, %dma_wait3A] : memref<32x1024xf32, #tpu.memory_space<hbm>> -> memref<1x1024xf32, #tpu.memory_space<hbm>>
      %dma_wait3A_20 = tpu.memref_squeeze %dma_wait3A_19 : memref<1x1024xf32, #tpu.memory_space<hbm>> -> memref<1024xf32, #tpu.memory_space<hbm>>
      %dma_wait3A_21 = arith.constant 0 : i32
      %dma_wait3A_22 = tpu.memref_slice %arg5[%add3A_13, %dma_wait3A_21] : memref<32x1024xf32, #tpu.memory_space<hbm>> -> memref<1x1024xf32, #tpu.memory_space<hbm>>
      %dma_wait3A_23 = tpu.memref_squeeze %dma_wait3A_22 : memref<1x1024xf32, #tpu.memory_space<hbm>> -> memref<1024xf32, #tpu.memory_space<hbm>>
      tpu.wait_dma2 semaphore(%run_scoped3A : memref<!tpu.dma_semaphore, #tpu.memory_space<semaphore_mem>>) src(%arg6 : memref<1024xf32, #tpu.memory_space<vmem>>) dst(%dma_wait3A_23 : memref<1024xf32, #tpu.memory_space<hbm>>)
      tpu.yield
    }) : () -> ()
    return
  }
}

module attributes {stable_mosaic.version = 14 : i64} {
  func.func @_encode_body(%arg0: i32, %arg1: memref<512x2048xf32, #tpu.memory_space<vmem>>, %arg2: memref<2048x2048xbf16, #tpu.memory_space<vmem>>, %arg3: memref<1x2048xf32, #tpu.memory_space<vmem>>, %arg4: memref<2048x2048xbf16, #tpu.memory_space<vmem>>, %arg5: memref<1x2048xf32, #tpu.memory_space<vmem>>, %arg6: memref<512x2048xf32, #tpu.memory_space<vmem>>) attributes {dimension_semantics = [#tpu.dimension_semantics<arbitrary>], iteration_bounds = array<i64: 8>, scalar_prefetch = 0 : i64, scratch_operands = 0 : i64, tpu.core_type = #tpu.core_type<tc>, window_params = [{transform_indices = @transform_0, window_bounds = array<i64: 512, 2048>}, {pipeline_mode = #tpu.pipeline_mode<synchronous>, transform_indices = @transform_1, window_bounds = array<i64: 2048, 2048>}, {pipeline_mode = #tpu.pipeline_mode<synchronous>, transform_indices = @transform_2, window_bounds = array<i64: 1, 2048>}, {pipeline_mode = #tpu.pipeline_mode<synchronous>, transform_indices = @transform_3, window_bounds = array<i64: 2048, 2048>}, {pipeline_mode = #tpu.pipeline_mode<synchronous>, transform_indices = @transform_4, window_bounds = array<i64: 1, 2048>}, {transform_indices = @transform_5, window_bounds = array<i64: 512, 2048>}]} {
    %get3A = arith.constant 0 : index
    %get3A_0 = arith.constant 0 : index
    %get3A_1 = vector.load %arg1[%get3A, %get3A_0] : memref<512x2048xf32, #tpu.memory_space<vmem>>, vector<512x2048xf32>
    %convert_element_type3A = arith.truncf %get3A_1 : vector<512x2048xf32> to vector<512x2048xbf16>
    %get3A_2 = arith.constant 0 : index
    %get3A_3 = arith.constant 0 : index
    %get3A_4 = vector.load %arg2[%get3A_2, %get3A_3] : memref<2048x2048xbf16, #tpu.memory_space<vmem>>, vector<2048x2048xbf16>
    %dot_general3A = arith.constant dense<0.000000e+00> : vector<512x2048xf32>
    %dot_general3A_5 = tpu.matmul %convert_element_type3A, %get3A_4, %dot_general3A {dimension_numbers = #tpu.dot_dimension_numbers<[1], [1], [0], [0], [0, 0, 1, 0], [], []>, transpose_lhs_hint = false} : vector<512x2048xbf16>, vector<2048x2048xbf16>, vector<512x2048xf32> -> vector<512x2048xf32>
    %get3A_6 = arith.constant 0 : index
    %get3A_7 = arith.constant 0 : index
    %get3A_8 = vector.load %arg3[%get3A_6, %get3A_7] : memref<1x2048xf32, #tpu.memory_space<vmem>>, vector<1x2048xf32>
    %add3A = vector.broadcast %get3A_8 : vector<1x2048xf32> to vector<512x2048xf32>
    %add3A_9 = arith.addf %dot_general3A_5, %add3A : vector<512x2048xf32>
    %max3A = arith.constant 0.000000e+00 : f32
    %max3A_10 = vector.broadcast %max3A : f32 to vector<512x2048xf32>
    %max3A_11 = arith.maximumf %add3A_9, %max3A_10 : vector<512x2048xf32>
    %convert_element_type3A_12 = arith.truncf %max3A_11 : vector<512x2048xf32> to vector<512x2048xbf16>
    %get3A_13 = arith.constant 0 : index
    %get3A_14 = arith.constant 0 : index
    %get3A_15 = vector.load %arg4[%get3A_13, %get3A_14] : memref<2048x2048xbf16, #tpu.memory_space<vmem>>, vector<2048x2048xbf16>
    %dot_general3A_16 = arith.constant dense<0.000000e+00> : vector<512x2048xf32>
    %dot_general3A_17 = tpu.matmul %convert_element_type3A_12, %get3A_15, %dot_general3A_16 {dimension_numbers = #tpu.dot_dimension_numbers<[1], [1], [0], [0], [0, 0, 1, 0], [], []>, transpose_lhs_hint = false} : vector<512x2048xbf16>, vector<2048x2048xbf16>, vector<512x2048xf32> -> vector<512x2048xf32>
    %get3A_18 = arith.constant 0 : index
    %get3A_19 = arith.constant 0 : index
    %get3A_20 = vector.load %arg5[%get3A_18, %get3A_19] : memref<1x2048xf32, #tpu.memory_space<vmem>>, vector<1x2048xf32>
    %add3A_21 = vector.broadcast %get3A_20 : vector<1x2048xf32> to vector<512x2048xf32>
    %add3A_22 = arith.addf %dot_general3A_17, %add3A_21 : vector<512x2048xf32>
    %swap3A = arith.constant 0 : index
    %swap3A_23 = arith.constant 0 : index
    %swap3A_24 = vector.load %arg6[%swap3A, %swap3A_23] : memref<512x2048xf32, #tpu.memory_space<vmem>>, vector<512x2048xf32>
    tpu.vector_store %arg6[%swap3A, %swap3A_23], %add3A_22 {strides = array<i32>} : memref<512x2048xf32, #tpu.memory_space<vmem>>, vector<512x2048xf32>,
    return
  }
  func.func @transform_0(%arg0: i32) -> (i32, i32) {
    %c0_i32 = arith.constant 0 : i32
    %c0_i32_0 = arith.constant 0 : i32
    return %arg0, %c0_i32 : i32, i32
  }
  func.func @transform_1(%arg0: i32) -> (i32, i32) {
    %c0_i32 = arith.constant 0 : i32
    %c0_i32_0 = arith.constant 0 : i32
    %c0_i32_1 = arith.constant 0 : i32
    return %c0_i32, %c0_i32_0 : i32, i32
  }
  func.func @transform_2(%arg0: i32) -> (i32, i32) {
    %c0_i32 = arith.constant 0 : i32
    %c0_i32_0 = arith.constant 0 : i32
    %c0_i32_1 = arith.constant 0 : i32
    return %c0_i32, %c0_i32_0 : i32, i32
  }
  func.func @transform_3(%arg0: i32) -> (i32, i32) {
    %c0_i32 = arith.constant 0 : i32
    %c0_i32_0 = arith.constant 0 : i32
    %c0_i32_1 = arith.constant 0 : i32
    return %c0_i32, %c0_i32_0 : i32, i32
  }
  func.func @transform_4(%arg0: i32) -> (i32, i32) {
    %c0_i32 = arith.constant 0 : i32
    %c0_i32_0 = arith.constant 0 : i32
    %c0_i32_1 = arith.constant 0 : i32
    return %c0_i32, %c0_i32_0 : i32, i32
  }
  func.func @transform_5(%arg0: i32) -> (i32, i32) {
    %c0_i32 = arith.constant 0 : i32
    %c0_i32_0 = arith.constant 0 : i32
    return %arg0, %c0_i32 : i32, i32
  }
}

module attributes {stable_mosaic.version = 14 : i64} {
  func.func @_vq_body(%arg0: i32, %arg1: memref<4096x64xf32, #tpu.memory_space<vmem>>, %arg2: memref<64x1024xf32, #tpu.memory_space<vmem>>, %arg3: memref<1x1024xf32, #tpu.memory_space<vmem>>, %arg4: memref<1x1x4096xi32, #tpu.memory_space<vmem>>) attributes {dimension_semantics = [#tpu.dimension_semantics<arbitrary>], iteration_bounds = array<i64: 32>, scalar_prefetch = 0 : i64, scratch_operands = 0 : i64, tpu.core_type = #tpu.core_type<tc>, window_params = [{transform_indices = @transform_0, window_bounds = array<i64: 4096, 64>}, {pipeline_mode = #tpu.pipeline_mode<synchronous>, transform_indices = @transform_1, window_bounds = array<i64: 64, 1024>}, {pipeline_mode = #tpu.pipeline_mode<synchronous>, transform_indices = @transform_2, window_bounds = array<i64: 1, 1024>}, {transform_indices = @transform_3, window_bounds = array<i64: 1, 1, 4096>}]} {
    %get3A = arith.constant 0 : index
    %get3A_0 = arith.constant 0 : index
    %get3A_1 = vector.load %arg2[%get3A, %get3A_0] : memref<64x1024xf32, #tpu.memory_space<vmem>>, vector<64x1024xf32>
    %convert_element_type3A = arith.truncf %get3A_1 : vector<64x1024xf32> to vector<64x1024xbf16>
    %get3A_2 = arith.constant 0 : index
    %get3A_3 = arith.constant 0 : index
    %get3A_4 = vector.load %arg3[%get3A_2, %get3A_3] : memref<1x1024xf32, #tpu.memory_space<vmem>>, vector<1x1024xf32>
    %get3A_5 = arith.constant 0 : index
    %get3A_6 = arith.constant 0 : index
    %get3A_7 = vector.load %arg1[%get3A_5, %get3A_6] : memref<4096x64xf32, #tpu.memory_space<vmem>>, vector<256x64xf32>
    %convert_element_type3A_8 = arith.truncf %get3A_7 : vector<256x64xf32> to vector<256x64xbf16>
    %dot_general3A = arith.constant dense<0.000000e+00> : vector<256x1024xf32>
    %dot_general3A_9 = tpu.matmul %convert_element_type3A_8, %convert_element_type3A, %dot_general3A {dimension_numbers = #tpu.dot_dimension_numbers<[1], [0], [0], [1], [0, 0, 1, 1], [], []>, transpose_lhs_hint = false} : vector<256x64xbf16>, vector<64x1024xbf16>, vector<256x1024xf32> -> vector<256x1024xf32>
    %add3A = vector.broadcast %get3A_4 : vector<1x1024xf32> to vector<256x1024xf32>
    %add3A_10 = arith.addf %dot_general3A_9, %add3A : vector<256x1024xf32>
    %argmin3A = tpu.reduce_index %add3A_10 {axis = 1 : i32, kind = #tpu.reduction_kind<arg_min>} : vector<256x1024xf32> -> vector<256xi32>
    %swap3A = arith.constant 0 : index
    %swap3A_11 = arith.constant 0 : index
    %swap3A_12 = arith.constant 0 : index
    %swap3A_13 = vector.load %arg4[%swap3A, %swap3A_11, %swap3A_12] : memref<1x1x4096xi32, #tpu.memory_space<vmem>>, vector<1x1x256xi32>
    %swap3A_14 = vector.shape_cast %swap3A_13 : vector<1x1x256xi32> to vector<256xi32>
    %swap3A_15 = vector.shape_cast %argmin3A : vector<256xi32> to vector<1x1x256xi32>
    tpu.vector_store %arg4[%swap3A, %swap3A_11, %swap3A_12], %swap3A_15 {strides = array<i32>} : memref<1x1x4096xi32, #tpu.memory_space<vmem>>, vector<1x1x256xi32>,
    %get3A_16 = arith.constant 256 : index
    %get3A_17 = arith.constant 0 : index
    %get3A_18 = vector.load %arg1[%get3A_16, %get3A_17] : memref<4096x64xf32, #tpu.memory_space<vmem>>, vector<256x64xf32>
    %convert_element_type3A_19 = arith.truncf %get3A_18 : vector<256x64xf32> to vector<256x64xbf16>
    %dot_general3A_20 = arith.constant dense<0.000000e+00> : vector<256x1024xf32>
    %dot_general3A_21 = tpu.matmul %convert_element_type3A_19, %convert_element_type3A, %dot_general3A_20 {dimension_numbers = #tpu.dot_dimension_numbers<[1], [0], [0], [1], [0, 0, 1, 1], [], []>, transpose_lhs_hint = false} : vector<256x64xbf16>, vector<64x1024xbf16>, vector<256x1024xf32> -> vector<256x1024xf32>
    %add3A_22 = vector.broadcast %get3A_4 : vector<1x1024xf32> to vector<256x1024xf32>
    %add3A_23 = arith.addf %dot_general3A_21, %add3A_22 : vector<256x1024xf32>
    %argmin3A_24 = tpu.reduce_index %add3A_23 {axis = 1 : i32, kind = #tpu.reduction_kind<arg_min>} : vector<256x1024xf32> -> vector<256xi32>
    %swap3A_25 = arith.constant 0 : index
    %swap3A_26 = arith.constant 0 : index
    %swap3A_27 = arith.constant 256 : index
    %swap3A_28 = vector.load %arg4[%swap3A_25, %swap3A_26, %swap3A_27] : memref<1x1x4096xi32, #tpu.memory_space<vmem>>, vector<1x1x256xi32>
    %swap3A_29 = vector.shape_cast %swap3A_28 : vector<1x1x256xi32> to vector<256xi32>
    %swap3A_30 = vector.shape_cast %argmin3A_24 : vector<256xi32> to vector<1x1x256xi32>
    tpu.vector_store %arg4[%swap3A_25, %swap3A_26, %swap3A_27], %swap3A_30 {strides = array<i32>} : memref<1x1x4096xi32, #tpu.memory_space<vmem>>, vector<1x1x256xi32>,
    %get3A_31 = arith.constant 512 : index
    %get3A_32 = arith.constant 0 : index
    %get3A_33 = vector.load %arg1[%get3A_31, %get3A_32] : memref<4096x64xf32, #tpu.memory_space<vmem>>, vector<256x64xf32>
    %convert_element_type3A_34 = arith.truncf %get3A_33 : vector<256x64xf32> to vector<256x64xbf16>
    %dot_general3A_35 = arith.constant dense<0.000000e+00> : vector<256x1024xf32>
    %dot_general3A_36 = tpu.matmul %convert_element_type3A_34, %convert_element_type3A, %dot_general3A_35 {dimension_numbers = #tpu.dot_dimension_numbers<[1], [0], [0], [1], [0, 0, 1, 1], [], []>, transpose_lhs_hint = false} : vector<256x64xbf16>, vector<64x1024xbf16>, vector<256x1024xf32> -> vector<256x1024xf32>
    %add3A_37 = vector.broadcast %get3A_4 : vector<1x1024xf32> to vector<256x1024xf32>
    %add3A_38 = arith.addf %dot_general3A_36, %add3A_37 : vector<256x1024xf32>
    %argmin3A_39 = tpu.reduce_index %add3A_38 {axis = 1 : i32, kind = #tpu.reduction_kind<arg_min>} : vector<256x1024xf32> -> vector<256xi32>
    %swap3A_40 = arith.constant 0 : index
    %swap3A_41 = arith.constant 0 : index
    %swap3A_42 = arith.constant 512 : index
    %swap3A_43 = vector.load %arg4[%swap3A_40, %swap3A_41, %swap3A_42] : memref<1x1x4096xi32, #tpu.memory_space<vmem>>, vector<1x1x256xi32>
    %swap3A_44 = vector.shape_cast %swap3A_43 : vector<1x1x256xi32> to vector<256xi32>
    %swap3A_45 = vector.shape_cast %argmin3A_39 : vector<256xi32> to vector<1x1x256xi32>
    tpu.vector_store %arg4[%swap3A_40, %swap3A_41, %swap3A_42], %swap3A_45 {strides = array<i32>} : memref<1x1x4096xi32, #tpu.memory_space<vmem>>, vector<1x1x256xi32>,
    %get3A_46 = arith.constant 768 : index
    %get3A_47 = arith.constant 0 : index
    %get3A_48 = vector.load %arg1[%get3A_46, %get3A_47] : memref<4096x64xf32, #tpu.memory_space<vmem>>, vector<256x64xf32>
    %convert_element_type3A_49 = arith.truncf %get3A_48 : vector<256x64xf32> to vector<256x64xbf16>
    %dot_general3A_50 = arith.constant dense<0.000000e+00> : vector<256x1024xf32>
    %dot_general3A_51 = tpu.matmul %convert_element_type3A_49, %convert_element_type3A, %dot_general3A_50 {dimension_numbers = #tpu.dot_dimension_numbers<[1], [0], [0], [1], [0, 0, 1, 1], [], []>, transpose_lhs_hint = false} : vector<256x64xbf16>, vector<64x1024xbf16>, vector<256x1024xf32> -> vector<256x1024xf32>
    %add3A_52 = vector.broadcast %get3A_4 : vector<1x1024xf32> to vector<256x1024xf32>
    %add3A_53 = arith.addf %dot_general3A_51, %add3A_52 : vector<256x1024xf32>
    %argmin3A_54 = tpu.reduce_index %add3A_53 {axis = 1 : i32, kind = #tpu.reduction_kind<arg_min>} : vector<256x1024xf32> -> vector<256xi32>
    %swap3A_55 = arith.constant 0 : index
    %swap3A_56 = arith.constant 0 : index
    %swap3A_57 = arith.constant 768 : index
    %swap3A_58 = vector.load %arg4[%swap3A_55, %swap3A_56, %swap3A_57] : memref<1x1x4096xi32, #tpu.memory_space<vmem>>, vector<1x1x256xi32>
    %swap3A_59 = vector.shape_cast %swap3A_58 : vector<1x1x256xi32> to vector<256xi32>
    %swap3A_60 = vector.shape_cast %argmin3A_54 : vector<256xi32> to vector<1x1x256xi32>
    tpu.vector_store %arg4[%swap3A_55, %swap3A_56, %swap3A_57], %swap3A_60 {strides = array<i32>} : memref<1x1x4096xi32, #tpu.memory_space<vmem>>, vector<1x1x256xi32>,
    %get3A_61 = arith.constant 1024 : index
    %get3A_62 = arith.constant 0 : index
    %get3A_63 = vector.load %arg1[%get3A_61, %get3A_62] : memref<4096x64xf32, #tpu.memory_space<vmem>>, vector<256x64xf32>
    %convert_element_type3A_64 = arith.truncf %get3A_63 : vector<256x64xf32> to vector<256x64xbf16>
    %dot_general3A_65 = arith.constant dense<0.000000e+00> : vector<256x1024xf32>
    %dot_general3A_66 = tpu.matmul %convert_element_type3A_64, %convert_element_type3A, %dot_general3A_65 {dimension_numbers = #tpu.dot_dimension_numbers<[1], [0], [0], [1], [0, 0, 1, 1], [], []>, transpose_lhs_hint = false} : vector<256x64xbf16>, vector<64x1024xbf16>, vector<256x1024xf32> -> vector<256x1024xf32>
    %add3A_67 = vector.broadcast %get3A_4 : vector<1x1024xf32> to vector<256x1024xf32>
    %add3A_68 = arith.addf %dot_general3A_66, %add3A_67 : vector<256x1024xf32>
    %argmin3A_69 = tpu.reduce_index %add3A_68 {axis = 1 : i32, kind = #tpu.reduction_kind<arg_min>} : vector<256x1024xf32> -> vector<256xi32>
    %swap3A_70 = arith.constant 0 : index
    %swap3A_71 = arith.constant 0 : index
    %swap3A_72 = arith.constant 1024 : index
    %swap3A_73 = vector.load %arg4[%swap3A_70, %swap3A_71, %swap3A_72] : memref<1x1x4096xi32, #tpu.memory_space<vmem>>, vector<1x1x256xi32>
    %swap3A_74 = vector.shape_cast %swap3A_73 : vector<1x1x256xi32> to vector<256xi32>
    %swap3A_75 = vector.shape_cast %argmin3A_69 : vector<256xi32> to vector<1x1x256xi32>
    tpu.vector_store %arg4[%swap3A_70, %swap3A_71, %swap3A_72], %swap3A_75 {strides = array<i32>} : memref<1x1x4096xi32, #tpu.memory_space<vmem>>, vector<1x1x256xi32>,
    %get3A_76 = arith.constant 1280 : index
    %get3A_77 = arith.constant 0 : index
    %get3A_78 = vector.load %arg1[%get3A_76, %get3A_77] : memref<4096x64xf32, #tpu.memory_space<vmem>>, vector<256x64xf32>
    %convert_element_type3A_79 = arith.truncf %get3A_78 : vector<256x64xf32> to vector<256x64xbf16>
    %dot_general3A_80 = arith.constant dense<0.000000e+00> : vector<256x1024xf32>
    %dot_general3A_81 = tpu.matmul %convert_element_type3A_79, %convert_element_type3A, %dot_general3A_80 {dimension_numbers = #tpu.dot_dimension_numbers<[1], [0], [0], [1], [0, 0, 1, 1], [], []>, transpose_lhs_hint = false} : vector<256x64xbf16>, vector<64x1024xbf16>, vector<256x1024xf32> -> vector<256x1024xf32>
    %add3A_82 = vector.broadcast %get3A_4 : vector<1x1024xf32> to vector<256x1024xf32>
    %add3A_83 = arith.addf %dot_general3A_81, %add3A_82 : vector<256x1024xf32>
    %argmin3A_84 = tpu.reduce_index %add3A_83 {axis = 1 : i32, kind = #tpu.reduction_kind<arg_min>} : vector<256x1024xf32> -> vector<256xi32>
    %swap3A_85 = arith.constant 0 : index
    %swap3A_86 = arith.constant 0 : index
    %swap3A_87 = arith.constant 1280 : index
    %swap3A_88 = vector.load %arg4[%swap3A_85, %swap3A_86, %swap3A_87] : memref<1x1x4096xi32, #tpu.memory_space<vmem>>, vector<1x1x256xi32>
    %swap3A_89 = vector.shape_cast %swap3A_88 : vector<1x1x256xi32> to vector<256xi32>
    %swap3A_90 = vector.shape_cast %argmin3A_84 : vector<256xi32> to vector<1x1x256xi32>
    tpu.vector_store %arg4[%swap3A_85, %swap3A_86, %swap3A_87], %swap3A_90 {strides = array<i32>} : memref<1x1x4096xi32, #tpu.memory_space<vmem>>, vector<1x1x256xi32>,
    %get3A_91 = arith.constant 1536 : index
    %get3A_92 = arith.constant 0 : index
    %get3A_93 = vector.load %arg1[%get3A_91, %get3A_92] : memref<4096x64xf32, #tpu.memory_space<vmem>>, vector<256x64xf32>
    %convert_element_type3A_94 = arith.truncf %get3A_93 : vector<256x64xf32> to vector<256x64xbf16>
    %dot_general3A_95 = arith.constant dense<0.000000e+00> : vector<256x1024xf32>
    %dot_general3A_96 = tpu.matmul %convert_element_type3A_94, %convert_element_type3A, %dot_general3A_95 {dimension_numbers = #tpu.dot_dimension_numbers<[1], [0], [0], [1], [0, 0, 1, 1], [], []>, transpose_lhs_hint = false} : vector<256x64xbf16>, vector<64x1024xbf16>, vector<256x1024xf32> -> vector<256x1024xf32>
    %add3A_97 = vector.broadcast %get3A_4 : vector<1x1024xf32> to vector<256x1024xf32>
    %add3A_98 = arith.addf %dot_general3A_96, %add3A_97 : vector<256x1024xf32>
    %argmin3A_99 = tpu.reduce_index %add3A_98 {axis = 1 : i32, kind = #tpu.reduction_kind<arg_min>} : vector<256x1024xf32> -> vector<256xi32>
    %swap3A_100 = arith.constant 0 : index
    %swap3A_101 = arith.constant 0 : index
    %swap3A_102 = arith.constant 1536 : index
    %swap3A_103 = vector.load %arg4[%swap3A_100, %swap3A_101, %swap3A_102] : memref<1x1x4096xi32, #tpu.memory_space<vmem>>, vector<1x1x256xi32>
    %swap3A_104 = vector.shape_cast %swap3A_103 : vector<1x1x256xi32> to vector<256xi32>
    %swap3A_105 = vector.shape_cast %argmin3A_99 : vector<256xi32> to vector<1x1x256xi32>
    tpu.vector_store %arg4[%swap3A_100, %swap3A_101, %swap3A_102], %swap3A_105 {strides = array<i32>} : memref<1x1x4096xi32, #tpu.memory_space<vmem>>, vector<1x1x256xi32>,
    %get3A_106 = arith.constant 1792 : index
    %get3A_107 = arith.constant 0 : index
    %get3A_108 = vector.load %arg1[%get3A_106, %get3A_107] : memref<4096x64xf32, #tpu.memory_space<vmem>>, vector<256x64xf32>
    %convert_element_type3A_109 = arith.truncf %get3A_108 : vector<256x64xf32> to vector<256x64xbf16>
    %dot_general3A_110 = arith.constant dense<0.000000e+00> : vector<256x1024xf32>
    %dot_general3A_111 = tpu.matmul %convert_element_type3A_109, %convert_element_type3A, %dot_general3A_110 {dimension_numbers = #tpu.dot_dimension_numbers<[1], [0], [0], [1], [0, 0, 1, 1], [], []>, transpose_lhs_hint = false} : vector<256x64xbf16>, vector<64x1024xbf16>, vector<256x1024xf32> -> vector<256x1024xf32>
    %add3A_112 = vector.broadcast %get3A_4 : vector<1x1024xf32> to vector<256x1024xf32>
    %add3A_113 = arith.addf %dot_general3A_111, %add3A_112 : vector<256x1024xf32>
    %argmin3A_114 = tpu.reduce_index %add3A_113 {axis = 1 : i32, kind = #tpu.reduction_kind<arg_min>} : vector<256x1024xf32> -> vector<256xi32>
    %swap3A_115 = arith.constant 0 : index
    %swap3A_116 = arith.constant 0 : index
    %swap3A_117 = arith.constant 1792 : index
    %swap3A_118 = vector.load %arg4[%swap3A_115, %swap3A_116, %swap3A_117] : memref<1x1x4096xi32, #tpu.memory_space<vmem>>, vector<1x1x256xi32>
    %swap3A_119 = vector.shape_cast %swap3A_118 : vector<1x1x256xi32> to vector<256xi32>
    %swap3A_120 = vector.shape_cast %argmin3A_114 : vector<256xi32> to vector<1x1x256xi32>
    tpu.vector_store %arg4[%swap3A_115, %swap3A_116, %swap3A_117], %swap3A_120 {strides = array<i32>} : memref<1x1x4096xi32, #tpu.memory_space<vmem>>, vector<1x1x256xi32>,
    %get3A_121 = arith.constant 2048 : index
    %get3A_122 = arith.constant 0 : index
    %get3A_123 = vector.load %arg1[%get3A_121, %get3A_122] : memref<4096x64xf32, #tpu.memory_space<vmem>>, vector<256x64xf32>
    %convert_element_type3A_124 = arith.truncf %get3A_123 : vector<256x64xf32> to vector<256x64xbf16>
    %dot_general3A_125 = arith.constant dense<0.000000e+00> : vector<256x1024xf32>
    %dot_general3A_126 = tpu.matmul %convert_element_type3A_124, %convert_element_type3A, %dot_general3A_125 {dimension_numbers = #tpu.dot_dimension_numbers<[1], [0], [0], [1], [0, 0, 1, 1], [], []>, transpose_lhs_hint = false} : vector<256x64xbf16>, vector<64x1024xbf16>, vector<256x1024xf32> -> vector<256x1024xf32>
    %add3A_127 = vector.broadcast %get3A_4 : vector<1x1024xf32> to vector<256x1024xf32>
    %add3A_128 = arith.addf %dot_general3A_126, %add3A_127 : vector<256x1024xf32>
    %argmin3A_129 = tpu.reduce_index %add3A_128 {axis = 1 : i32, kind = #tpu.reduction_kind<arg_min>} : vector<256x1024xf32> -> vector<256xi32>
    %swap3A_130 = arith.constant 0 : index
    %swap3A_131 = arith.constant 0 : index
    %swap3A_132 = arith.constant 2048 : index
    %swap3A_133 = vector.load %arg4[%swap3A_130, %swap3A_131, %swap3A_132] : memref<1x1x4096xi32, #tpu.memory_space<vmem>>, vector<1x1x256xi32>
    %swap3A_134 = vector.shape_cast %swap3A_133 : vector<1x1x256xi32> to vector<256xi32>
    %swap3A_135 = vector.shape_cast %argmin3A_129 : vector<256xi32> to vector<1x1x256xi32>
    tpu.vector_store %arg4[%swap3A_130, %swap3A_131, %swap3A_132], %swap3A_135 {strides = array<i32>} : memref<1x1x4096xi32, #tpu.memory_space<vmem>>, vector<1x1x256xi32>,
    %get3A_136 = arith.constant 2304 : index
    %get3A_137 = arith.constant 0 : index
    %get3A_138 = vector.load %arg1[%get3A_136, %get3A_137] : memref<4096x64xf32, #tpu.memory_space<vmem>>, vector<256x64xf32>
    %convert_element_type3A_139 = arith.truncf %get3A_138 : vector<256x64xf32> to vector<256x64xbf16>
    %dot_general3A_140 = arith.constant dense<0.000000e+00> : vector<256x1024xf32>
    %dot_general3A_141 = tpu.matmul %convert_element_type3A_139, %convert_element_type3A, %dot_general3A_140 {dimension_numbers = #tpu.dot_dimension_numbers<[1], [0], [0], [1], [0, 0, 1, 1], [], []>, transpose_lhs_hint = false} : vector<256x64xbf16>, vector<64x1024xbf16>, vector<256x1024xf32> -> vector<256x1024xf32>
    %add3A_142 = vector.broadcast %get3A_4 : vector<1x1024xf32> to vector<256x1024xf32>
    %add3A_143 = arith.addf %dot_general3A_141, %add3A_142 : vector<256x1024xf32>
    %argmin3A_144 = tpu.reduce_index %add3A_143 {axis = 1 : i32, kind = #tpu.reduction_kind<arg_min>} : vector<256x1024xf32> -> vector<256xi32>
    %swap3A_145 = arith.constant 0 : index
    %swap3A_146 = arith.constant 0 : index
    %swap3A_147 = arith.constant 2304 : index
    %swap3A_148 = vector.load %arg4[%swap3A_145, %swap3A_146, %swap3A_147] : memref<1x1x4096xi32, #tpu.memory_space<vmem>>, vector<1x1x256xi32>
    %swap3A_149 = vector.shape_cast %swap3A_148 : vector<1x1x256xi32> to vector<256xi32>
    %swap3A_150 = vector.shape_cast %argmin3A_144 : vector<256xi32> to vector<1x1x256xi32>
    tpu.vector_store %arg4[%swap3A_145, %swap3A_146, %swap3A_147], %swap3A_150 {strides = array<i32>} : memref<1x1x4096xi32, #tpu.memory_space<vmem>>, vector<1x1x256xi32>,
    %get3A_151 = arith.constant 2560 : index
    %get3A_152 = arith.constant 0 : index
    %get3A_153 = vector.load %arg1[%get3A_151, %get3A_152] : memref<4096x64xf32, #tpu.memory_space<vmem>>, vector<256x64xf32>
    %convert_element_type3A_154 = arith.truncf %get3A_153 : vector<256x64xf32> to vector<256x64xbf16>
    %dot_general3A_155 = arith.constant dense<0.000000e+00> : vector<256x1024xf32>
    %dot_general3A_156 = tpu.matmul %convert_element_type3A_154, %convert_element_type3A, %dot_general3A_155 {dimension_numbers = #tpu.dot_dimension_numbers<[1], [0], [0], [1], [0, 0, 1, 1], [], []>, transpose_lhs_hint = false} : vector<256x64xbf16>, vector<64x1024xbf16>, vector<256x1024xf32> -> vector<256x1024xf32>
    %add3A_157 = vector.broadcast %get3A_4 : vector<1x1024xf32> to vector<256x1024xf32>
    %add3A_158 = arith.addf %dot_general3A_156, %add3A_157 : vector<256x1024xf32>
    %argmin3A_159 = tpu.reduce_index %add3A_158 {axis = 1 : i32, kind = #tpu.reduction_kind<arg_min>} : vector<256x1024xf32> -> vector<256xi32>
    %swap3A_160 = arith.constant 0 : index
    %swap3A_161 = arith.constant 0 : index
    %swap3A_162 = arith.constant 2560 : index
    %swap3A_163 = vector.load %arg4[%swap3A_160, %swap3A_161, %swap3A_162] : memref<1x1x4096xi32, #tpu.memory_space<vmem>>, vector<1x1x256xi32>
    %swap3A_164 = vector.shape_cast %swap3A_163 : vector<1x1x256xi32> to vector<256xi32>
    %swap3A_165 = vector.shape_cast %argmin3A_159 : vector<256xi32> to vector<1x1x256xi32>
    tpu.vector_store %arg4[%swap3A_160, %swap3A_161, %swap3A_162], %swap3A_165 {strides = array<i32>} : memref<1x1x4096xi32, #tpu.memory_space<vmem>>, vector<1x1x256xi32>,
    %get3A_166 = arith.constant 2816 : index
    %get3A_167 = arith.constant 0 : index
    %get3A_168 = vector.load %arg1[%get3A_166, %get3A_167] : memref<4096x64xf32, #tpu.memory_space<vmem>>, vector<256x64xf32>
    %convert_element_type3A_169 = arith.truncf %get3A_168 : vector<256x64xf32> to vector<256x64xbf16>
    %dot_general3A_170 = arith.constant dense<0.000000e+00> : vector<256x1024xf32>
    %dot_general3A_171 = tpu.matmul %convert_element_type3A_169, %convert_element_type3A, %dot_general3A_170 {dimension_numbers = #tpu.dot_dimension_numbers<[1], [0], [0], [1], [0, 0, 1, 1], [], []>, transpose_lhs_hint = false} : vector<256x64xbf16>, vector<64x1024xbf16>, vector<256x1024xf32> -> vector<256x1024xf32>
    %add3A_172 = vector.broadcast %get3A_4 : vector<1x1024xf32> to vector<256x1024xf32>
    %add3A_173 = arith.addf %dot_general3A_171, %add3A_172 : vector<256x1024xf32>
    %argmin3A_174 = tpu.reduce_index %add3A_173 {axis = 1 : i32, kind = #tpu.reduction_kind<arg_min>} : vector<256x1024xf32> -> vector<256xi32>
    %swap3A_175 = arith.constant 0 : index
    %swap3A_176 = arith.constant 0 : index
    %swap3A_177 = arith.constant 2816 : index
    %swap3A_178 = vector.load %arg4[%swap3A_175, %swap3A_176, %swap3A_177] : memref<1x1x4096xi32, #tpu.memory_space<vmem>>, vector<1x1x256xi32>
    %swap3A_179 = vector.shape_cast %swap3A_178 : vector<1x1x256xi32> to vector<256xi32>
    %swap3A_180 = vector.shape_cast %argmin3A_174 : vector<256xi32> to vector<1x1x256xi32>
    tpu.vector_store %arg4[%swap3A_175, %swap3A_176, %swap3A_177], %swap3A_180 {strides = array<i32>} : memref<1x1x4096xi32, #tpu.memory_space<vmem>>, vector<1x1x256xi32>,
    %get3A_181 = arith.constant 3072 : index
    %get3A_182 = arith.constant 0 : index
    %get3A_183 = vector.load %arg1[%get3A_181, %get3A_182] : memref<4096x64xf32, #tpu.memory_space<vmem>>, vector<256x64xf32>
    %convert_element_type3A_184 = arith.truncf %get3A_183 : vector<256x64xf32> to vector<256x64xbf16>
    %dot_general3A_185 = arith.constant dense<0.000000e+00> : vector<256x1024xf32>
    %dot_general3A_186 = tpu.matmul %convert_element_type3A_184, %convert_element_type3A, %dot_general3A_185 {dimension_numbers = #tpu.dot_dimension_numbers<[1], [0], [0], [1], [0, 0, 1, 1], [], []>, transpose_lhs_hint = false} : vector<256x64xbf16>, vector<64x1024xbf16>, vector<256x1024xf32> -> vector<256x1024xf32>
    %add3A_187 = vector.broadcast %get3A_4 : vector<1x1024xf32> to vector<256x1024xf32>
    %add3A_188 = arith.addf %dot_general3A_186, %add3A_187 : vector<256x1024xf32>
    %argmin3A_189 = tpu.reduce_index %add3A_188 {axis = 1 : i32, kind = #tpu.reduction_kind<arg_min>} : vector<256x1024xf32> -> vector<256xi32>
    %swap3A_190 = arith.constant 0 : index
    %swap3A_191 = arith.constant 0 : index
    %swap3A_192 = arith.constant 3072 : index
    %swap3A_193 = vector.load %arg4[%swap3A_190, %swap3A_191, %swap3A_192] : memref<1x1x4096xi32, #tpu.memory_space<vmem>>, vector<1x1x256xi32>
    %swap3A_194 = vector.shape_cast %swap3A_193 : vector<1x1x256xi32> to vector<256xi32>
    %swap3A_195 = vector.shape_cast %argmin3A_189 : vector<256xi32> to vector<1x1x256xi32>
    tpu.vector_store %arg4[%swap3A_190, %swap3A_191, %swap3A_192], %swap3A_195 {strides = array<i32>} : memref<1x1x4096xi32, #tpu.memory_space<vmem>>, vector<1x1x256xi32>,
    %get3A_196 = arith.constant 3328 : index
    %get3A_197 = arith.constant 0 : index
    %get3A_198 = vector.load %arg1[%get3A_196, %get3A_197] : memref<4096x64xf32, #tpu.memory_space<vmem>>, vector<256x64xf32>
    %convert_element_type3A_199 = arith.truncf %get3A_198 : vector<256x64xf32> to vector<256x64xbf16>
    %dot_general3A_200 = arith.constant dense<0.000000e+00> : vector<256x1024xf32>
    %dot_general3A_201 = tpu.matmul %convert_element_type3A_199, %convert_element_type3A, %dot_general3A_200 {dimension_numbers = #tpu.dot_dimension_numbers<[1], [0], [0], [1], [0, 0, 1, 1], [], []>, transpose_lhs_hint = false} : vector<256x64xbf16>, vector<64x1024xbf16>, vector<256x1024xf32> -> vector<256x1024xf32>
    %add3A_202 = vector.broadcast %get3A_4 : vector<1x1024xf32> to vector<256x1024xf32>
    %add3A_203 = arith.addf %dot_general3A_201, %add3A_202 : vector<256x1024xf32>
    %argmin3A_204 = tpu.reduce_index %add3A_203 {axis = 1 : i32, kind = #tpu.reduction_kind<arg_min>} : vector<256x1024xf32> -> vector<256xi32>
    %swap3A_205 = arith.constant 0 : index
    %swap3A_206 = arith.constant 0 : index
    %swap3A_207 = arith.constant 3328 : index
    %swap3A_208 = vector.load %arg4[%swap3A_205, %swap3A_206, %swap3A_207] : memref<1x1x4096xi32, #tpu.memory_space<vmem>>, vector<1x1x256xi32>
    %swap3A_209 = vector.shape_cast %swap3A_208 : vector<1x1x256xi32> to vector<256xi32>
    %swap3A_210 = vector.shape_cast %argmin3A_204 : vector<256xi32> to vector<1x1x256xi32>
    tpu.vector_store %arg4[%swap3A_205, %swap3A_206, %swap3A_207], %swap3A_210 {strides = array<i32>} : memref<1x1x4096xi32, #tpu.memory_space<vmem>>, vector<1x1x256xi32>,
    %get3A_211 = arith.constant 3584 : index
    %get3A_212 = arith.constant 0 : index
    %get3A_213 = vector.load %arg1[%get3A_211, %get3A_212] : memref<4096x64xf32, #tpu.memory_space<vmem>>, vector<256x64xf32>
    %convert_element_type3A_214 = arith.truncf %get3A_213 : vector<256x64xf32> to vector<256x64xbf16>
    %dot_general3A_215 = arith.constant dense<0.000000e+00> : vector<256x1024xf32>
    %dot_general3A_216 = tpu.matmul %convert_element_type3A_214, %convert_element_type3A, %dot_general3A_215 {dimension_numbers = #tpu.dot_dimension_numbers<[1], [0], [0], [1], [0, 0, 1, 1], [], []>, transpose_lhs_hint = false} : vector<256x64xbf16>, vector<64x1024xbf16>, vector<256x1024xf32> -> vector<256x1024xf32>
    %add3A_217 = vector.broadcast %get3A_4 : vector<1x1024xf32> to vector<256x1024xf32>
    %add3A_218 = arith.addf %dot_general3A_216, %add3A_217 : vector<256x1024xf32>
    %argmin3A_219 = tpu.reduce_index %add3A_218 {axis = 1 : i32, kind = #tpu.reduction_kind<arg_min>} : vector<256x1024xf32> -> vector<256xi32>
    %swap3A_220 = arith.constant 0 : index
    %swap3A_221 = arith.constant 0 : index
    %swap3A_222 = arith.constant 3584 : index
    %swap3A_223 = vector.load %arg4[%swap3A_220, %swap3A_221, %swap3A_222] : memref<1x1x4096xi32, #tpu.memory_space<vmem>>, vector<1x1x256xi32>
    %swap3A_224 = vector.shape_cast %swap3A_223 : vector<1x1x256xi32> to vector<256xi32>
    %swap3A_225 = vector.shape_cast %argmin3A_219 : vector<256xi32> to vector<1x1x256xi32>
    tpu.vector_store %arg4[%swap3A_220, %swap3A_221, %swap3A_222], %swap3A_225 {strides = array<i32>} : memref<1x1x4096xi32, #tpu.memory_space<vmem>>, vector<1x1x256xi32>,
    %get3A_226 = arith.constant 3840 : index
    %get3A_227 = arith.constant 0 : index
    %get3A_228 = vector.load %arg1[%get3A_226, %get3A_227] : memref<4096x64xf32, #tpu.memory_space<vmem>>, vector<256x64xf32>
    %convert_element_type3A_229 = arith.truncf %get3A_228 : vector<256x64xf32> to vector<256x64xbf16>
    %dot_general3A_230 = arith.constant dense<0.000000e+00> : vector<256x1024xf32>
    %dot_general3A_231 = tpu.matmul %convert_element_type3A_229, %convert_element_type3A, %dot_general3A_230 {dimension_numbers = #tpu.dot_dimension_numbers<[1], [0], [0], [1], [0, 0, 1, 1], [], []>, transpose_lhs_hint = false} : vector<256x64xbf16>, vector<64x1024xbf16>, vector<256x1024xf32> -> vector<256x1024xf32>
    %add3A_232 = vector.broadcast %get3A_4 : vector<1x1024xf32> to vector<256x1024xf32>
    %add3A_233 = arith.addf %dot_general3A_231, %add3A_232 : vector<256x1024xf32>
    %argmin3A_234 = tpu.reduce_index %add3A_233 {axis = 1 : i32, kind = #tpu.reduction_kind<arg_min>} : vector<256x1024xf32> -> vector<256xi32>
    %swap3A_235 = arith.constant 0 : index
    %swap3A_236 = arith.constant 0 : index
    %swap3A_237 = arith.constant 3840 : index
    %swap3A_238 = vector.load %arg4[%swap3A_235, %swap3A_236, %swap3A_237] : memref<1x1x4096xi32, #tpu.memory_space<vmem>>, vector<1x1x256xi32>
    %swap3A_239 = vector.shape_cast %swap3A_238 : vector<1x1x256xi32> to vector<256xi32>
    %swap3A_240 = vector.shape_cast %argmin3A_234 : vector<256xi32> to vector<1x1x256xi32>
    tpu.vector_store %arg4[%swap3A_235, %swap3A_236, %swap3A_237], %swap3A_240 {strides = array<i32>} : memref<1x1x4096xi32, #tpu.memory_space<vmem>>, vector<1x1x256xi32>,
    return
  }
  func.func @transform_0(%arg0: i32) -> (i32, i32) {
    %c0_i32 = arith.constant 0 : i32
    %c0_i32_0 = arith.constant 0 : i32
    return %arg0, %c0_i32 : i32, i32
  }
  func.func @transform_1(%arg0: i32) -> (i32, i32) {
    %c0_i32 = arith.constant 0 : i32
    %c0_i32_0 = arith.constant 0 : i32
    %c0_i32_1 = arith.constant 0 : i32
    return %c0_i32, %c0_i32_0 : i32, i32
  }
  func.func @transform_2(%arg0: i32) -> (i32, i32) {
    %c0_i32 = arith.constant 0 : i32
    %c0_i32_0 = arith.constant 0 : i32
    %c0_i32_1 = arith.constant 0 : i32
    return %c0_i32, %c0_i32_0 : i32, i32
  }
  func.func @transform_3(%arg0: i32) -> (i32, i32, i32) {
    %c0_i32 = arith.constant 0 : i32
    %c0_i32_0 = arith.constant 0 : i32
    %c0_i32_1 = arith.constant 0 : i32
    return %arg0, %c0_i32, %c0_i32_0 : i32, i32, i32
  }
}

module attributes {stable_mosaic.version = 14 : i64} {
  func.func @_decode_body(%arg0: i32, %arg1: memref<512x2048xf32, #tpu.memory_space<vmem>>, %arg2: memref<512x2048xf32, #tpu.memory_space<vmem>>, %arg3: memref<2048x2048xbf16, #tpu.memory_space<vmem>>, %arg4: memref<1x2048xf32, #tpu.memory_space<vmem>>, %arg5: memref<2048x2048xbf16, #tpu.memory_space<vmem>>, %arg6: memref<1x2048xf32, #tpu.memory_space<vmem>>, %arg7: memref<32x1024xf32, #tpu.memory_space<vmem>>, %arg8: memref<512x2048xf32, #tpu.memory_space<vmem>>, %arg9: memref<1x1xf32, #tpu.memory_space<vmem>>, %arg10: memref<1x1xf32, #tpu.memory_space<vmem>>, %arg11: memref<1xf32, #tpu.memory_space<smem>>) attributes {dimension_semantics = [#tpu.dimension_semantics<arbitrary>], iteration_bounds = array<i64: 8>, scalar_prefetch = 0 : i64, scratch_operands = 1 : i64, tpu.core_type = #tpu.core_type<tc>, window_params = [{transform_indices = @transform_0, window_bounds = array<i64: 512, 2048>}, {transform_indices = @transform_1, window_bounds = array<i64: 512, 2048>}, {pipeline_mode = #tpu.pipeline_mode<synchronous>, transform_indices = @transform_2, window_bounds = array<i64: 2048, 2048>}, {pipeline_mode = #tpu.pipeline_mode<synchronous>, transform_indices = @transform_3, window_bounds = array<i64: 1, 2048>}, {pipeline_mode = #tpu.pipeline_mode<synchronous>, transform_indices = @transform_4, window_bounds = array<i64: 2048, 2048>}, {pipeline_mode = #tpu.pipeline_mode<synchronous>, transform_indices = @transform_5, window_bounds = array<i64: 1, 2048>}, {pipeline_mode = #tpu.pipeline_mode<synchronous>, transform_indices = @transform_6, window_bounds = array<i64: 32, 1024>}, {transform_indices = @transform_7, window_bounds = array<i64: 512, 2048>}, {pipeline_mode = #tpu.pipeline_mode<synchronous>, transform_indices = @transform_8, window_bounds = array<i64: 1, 1>}, {pipeline_mode = #tpu.pipeline_mode<synchronous>, transform_indices = @transform_9, window_bounds = array<i64: 1, 1>}]} {
    %eq3A = arith.constant 0 : i32
    %eq3A_0 = arith.cmpi eq, %arg0, %eq3A : i32
    %convert_element_type3A = arith.extui %eq3A_0 : i1 to i32
    %cond3A = arith.constant 0 : i32
    %cond3A_1 = arith.cmpi ne, %convert_element_type3A, %cond3A : i32
    scf.if %cond3A_1 {
      %swap3A_45 = arith.constant 0.000000e+00 : f32
      %swap3A_46 = arith.constant 0 : index
      %swap3A_47 = memref.load %arg11[%swap3A_46] : memref<1xf32, #tpu.memory_space<smem>>
      memref.store %swap3A_45, %arg11[%swap3A_46] : memref<1xf32, #tpu.memory_space<smem>>
    } else {
    }
    %get3A = arith.constant 0 : index
    %get3A_2 = arith.constant 0 : index
    %get3A_3 = vector.load %arg1[%get3A, %get3A_2] : memref<512x2048xf32, #tpu.memory_space<vmem>>, vector<512x2048xf32>
    %get3A_4 = arith.constant 0 : index
    %get3A_5 = arith.constant 0 : index
    %get3A_6 = vector.load %arg2[%get3A_4, %get3A_5] : memref<512x2048xf32, #tpu.memory_space<vmem>>, vector<512x2048xf32>
    %sub3A = arith.subf %get3A_3, %get3A_6 : vector<512x2048xf32>
    %get3A_7 = arith.constant 0 : index
    %get3A_8 = memref.load %arg11[%get3A_7] : memref<1xf32, #tpu.memory_space<smem>>
    %mul3A = arith.mulf %sub3A, %sub3A : vector<512x2048xf32>
    %reduce_sum3A = vector.shape_cast %mul3A : vector<512x2048xf32> to vector<1x512x2048xf32>
    %reduce_sum3A_9 = arith.constant dense<0.000000e+00> : vector<1xf32>
    %reduce_sum3A_10 = vector.multi_reduction <add>, %reduce_sum3A, %reduce_sum3A_9 [1, 2] : vector<1x512x2048xf32> to vector<1xf32>
    %reduce_sum3A_11 = vector.shape_cast %reduce_sum3A_10 : vector<1xf32> to vector<1x1x1xf32>
    %reduce_sum3A_12 = vector.extract %reduce_sum3A_11[0, 0, 0] : f32 from vector<1x1x1xf32>
    %add3A = arith.addf %get3A_8, %reduce_sum3A_12 : f32
    %swap3A = arith.constant 0 : index
    %swap3A_13 = memref.load %arg11[%swap3A] : memref<1xf32, #tpu.memory_space<smem>>
    memref.store %add3A, %arg11[%swap3A] : memref<1xf32, #tpu.memory_space<smem>>
    %convert_element_type3A_14 = arith.truncf %get3A_3 : vector<512x2048xf32> to vector<512x2048xbf16>
    %get3A_15 = arith.constant 0 : index
    %get3A_16 = arith.constant 0 : index
    %get3A_17 = vector.load %arg3[%get3A_15, %get3A_16] : memref<2048x2048xbf16, #tpu.memory_space<vmem>>, vector<2048x2048xbf16>
    %dot_general3A = arith.constant dense<0.000000e+00> : vector<512x2048xf32>
    %dot_general3A_18 = tpu.matmul %convert_element_type3A_14, %get3A_17, %dot_general3A {dimension_numbers = #tpu.dot_dimension_numbers<[1], [1], [0], [0], [0, 0, 1, 0], [], []>, transpose_lhs_hint = false} : vector<512x2048xbf16>, vector<2048x2048xbf16>, vector<512x2048xf32> -> vector<512x2048xf32>
    %get3A_19 = arith.constant 0 : index
    %get3A_20 = arith.constant 0 : index
    %get3A_21 = vector.load %arg4[%get3A_19, %get3A_20] : memref<1x2048xf32, #tpu.memory_space<vmem>>, vector<1x2048xf32>
    %add3A_22 = vector.broadcast %get3A_21 : vector<1x2048xf32> to vector<512x2048xf32>
    %add3A_23 = arith.addf %dot_general3A_18, %add3A_22 : vector<512x2048xf32>
    %max3A = arith.constant 0.000000e+00 : f32
    %max3A_24 = vector.broadcast %max3A : f32 to vector<512x2048xf32>
    %max3A_25 = arith.maximumf %add3A_23, %max3A_24 : vector<512x2048xf32>
    %convert_element_type3A_26 = arith.truncf %max3A_25 : vector<512x2048xf32> to vector<512x2048xbf16>
    %get3A_27 = arith.constant 0 : index
    %get3A_28 = arith.constant 0 : index
    %get3A_29 = vector.load %arg5[%get3A_27, %get3A_28] : memref<2048x2048xbf16, #tpu.memory_space<vmem>>, vector<2048x2048xbf16>
    %dot_general3A_30 = arith.constant dense<0.000000e+00> : vector<512x2048xf32>
    %dot_general3A_31 = tpu.matmul %convert_element_type3A_26, %get3A_29, %dot_general3A_30 {dimension_numbers = #tpu.dot_dimension_numbers<[1], [1], [0], [0], [0, 0, 1, 0], [], []>, transpose_lhs_hint = false} : vector<512x2048xbf16>, vector<2048x2048xbf16>, vector<512x2048xf32> -> vector<512x2048xf32>
    %get3A_32 = arith.constant 0 : index
    %get3A_33 = arith.constant 0 : index
    %get3A_34 = vector.load %arg6[%get3A_32, %get3A_33] : memref<1x2048xf32, #tpu.memory_space<vmem>>, vector<1x2048xf32>
    %add3A_35 = vector.broadcast %get3A_34 : vector<1x2048xf32> to vector<512x2048xf32>
    %add3A_36 = arith.addf %dot_general3A_31, %add3A_35 : vector<512x2048xf32>
    %swap3A_37 = arith.constant 0 : index
    %swap3A_38 = arith.constant 0 : index
    %swap3A_39 = vector.load %arg8[%swap3A_37, %swap3A_38] : memref<512x2048xf32, #tpu.memory_space<vmem>>, vector<512x2048xf32>
    tpu.vector_store %arg8[%swap3A_37, %swap3A_38], %add3A_36 {strides = array<i32>} : memref<512x2048xf32, #tpu.memory_space<vmem>>, vector<512x2048xf32>,
    %eq3A_40 = arith.constant 7 : i32
    %eq3A_41 = arith.cmpi eq, %arg0, %eq3A_40 : i32
    %convert_element_type3A_42 = arith.extui %eq3A_41 : i1 to i32
    %cond3A_43 = arith.constant 0 : i32
    %cond3A_44 = arith.cmpi ne, %convert_element_type3A_42, %cond3A_43 : i32
    scf.if %cond3A_44 {
      %get3A_45 = arith.constant 0 : index
      %get3A_46 = memref.load %arg11[%get3A_45] : memref<1xf32, #tpu.memory_space<smem>>
      %mul3A_47 = arith.constant 1.49011612E-7 : f32
      %mul3A_48 = arith.mulf %get3A_46, %mul3A_47 : f32
      %reshape3A = vector.broadcast %mul3A_48 : f32 to vector<1x1xf32>
      %swap3A_49 = arith.constant 0 : index
      %swap3A_50 = arith.constant 0 : index
      %swap3A_51 = vector.load %arg9[%swap3A_49, %swap3A_50] : memref<1x1xf32, #tpu.memory_space<vmem>>, vector<1x1xf32>
      tpu.vector_store %arg9[%swap3A_49, %swap3A_50], %reshape3A {strides = array<i32>} : memref<1x1xf32, #tpu.memory_space<vmem>>, vector<1x1xf32>,
      %get3A_52 = arith.constant 0 : index
      %get3A_53 = arith.constant 0 : index
      %get3A_54 = vector.load %arg7[%get3A_52, %get3A_53] : memref<32x1024xf32, #tpu.memory_space<vmem>>, vector<32x1024xf32>
      %reduce_sum3A_55 = arith.constant dense<0.000000e+00> : vector<1024xf32>
      %reduce_sum3A_56 = vector.multi_reduction <add>, %get3A_54, %reduce_sum3A_55 [0] : vector<32x1024xf32> to vector<1024xf32>
      %mul3A_57 = arith.constant 7.62939453E-6 : f32
      %mul3A_58 = vector.broadcast %mul3A_57 : f32 to vector<1024xf32>
      %mul3A_59 = arith.mulf %reduce_sum3A_56, %mul3A_58 : vector<1024xf32>
      %add3A_60 = arith.constant 1.000000e-10 : f32
      %add3A_61 = vector.broadcast %add3A_60 : f32 to vector<1024xf32>
      %add3A_62 = arith.addf %mul3A_59, %add3A_61 : vector<1024xf32>
      %log3A = math.log %add3A_62 : vector<1024xf32>
      %mul3A_63 = arith.mulf %mul3A_59, %log3A : vector<1024xf32>
      %reduce_sum3A_64 = vector.shape_cast %mul3A_63 : vector<1024xf32> to vector<1x1024xf32>
      %reduce_sum3A_65 = arith.constant dense<0.000000e+00> : vector<1xf32>
      %reduce_sum3A_66 = vector.multi_reduction <add>, %reduce_sum3A_64, %reduce_sum3A_65 [1] : vector<1x1024xf32> to vector<1xf32>
      %reduce_sum3A_67 = vector.shape_cast %reduce_sum3A_66 : vector<1xf32> to vector<1x1xf32>
      %reduce_sum3A_68 = vector.extract %reduce_sum3A_67[0, 0] : f32 from vector<1x1xf32>
      %neg3A = arith.constant 0.000000e+00 : f32
      %neg3A_69 = arith.subf %neg3A, %reduce_sum3A_68 : f32
      %exp3A = math.exp %neg3A_69 : f32
      %reshape3A_70 = vector.broadcast %exp3A : f32 to vector<1x1xf32>
      %swap3A_71 = arith.constant 0 : index
      %swap3A_72 = arith.constant 0 : index
      %swap3A_73 = vector.load %arg10[%swap3A_71, %swap3A_72] : memref<1x1xf32, #tpu.memory_space<vmem>>, vector<1x1xf32>
      tpu.vector_store %arg10[%swap3A_71, %swap3A_72], %reshape3A_70 {strides = array<i32>} : memref<1x1xf32, #tpu.memory_space<vmem>>, vector<1x1xf32>,
    } else {
    }
    return
  }
  func.func @transform_0(%arg0: i32) -> (i32, i32) {
    %c0_i32 = arith.constant 0 : i32
    %c0_i32_0 = arith.constant 0 : i32
    return %arg0, %c0_i32 : i32, i32
  }
  func.func @transform_1(%arg0: i32) -> (i32, i32) {
    %c0_i32 = arith.constant 0 : i32
    %c0_i32_0 = arith.constant 0 : i32
    return %arg0, %c0_i32 : i32, i32
  }
  func.func @transform_2(%arg0: i32) -> (i32, i32) {
    %c0_i32 = arith.constant 0 : i32
    %c0_i32_0 = arith.constant 0 : i32
    %c0_i32_1 = arith.constant 0 : i32
    return %c0_i32, %c0_i32_0 : i32, i32
  }
  func.func @transform_3(%arg0: i32) -> (i32, i32) {
    %c0_i32 = arith.constant 0 : i32
    %c0_i32_0 = arith.constant 0 : i32
    %c0_i32_1 = arith.constant 0 : i32
    return %c0_i32, %c0_i32_0 : i32, i32
  }
  func.func @transform_4(%arg0: i32) -> (i32, i32) {
    %c0_i32 = arith.constant 0 : i32
    %c0_i32_0 = arith.constant 0 : i32
    %c0_i32_1 = arith.constant 0 : i32
    return %c0_i32, %c0_i32_0 : i32, i32
  }
  func.func @transform_5(%arg0: i32) -> (i32, i32) {
    %c0_i32 = arith.constant 0 : i32
    %c0_i32_0 = arith.constant 0 : i32
    %c0_i32_1 = arith.constant 0 : i32
    return %c0_i32, %c0_i32_0 : i32, i32
  }
  func.func @transform_6(%arg0: i32) -> (i32, i32) {
    %c0_i32 = arith.constant 0 : i32
    %c0_i32_0 = arith.constant 0 : i32
    %c0_i32_1 = arith.constant 0 : i32
    return %c0_i32, %c0_i32_0 : i32, i32
  }
  func.func @transform_7(%arg0: i32) -> (i32, i32) {
    %c0_i32 = arith.constant 0 : i32
    %c0_i32_0 = arith.constant 0 : i32
    return %arg0, %c0_i32 : i32, i32
  }
  func.func @transform_8(%arg0: i32) -> (i32, i32) {
    %c0_i32 = arith.constant 0 : i32
    %c0_i32_0 = arith.constant 0 : i32
    %c0_i32_1 = arith.constant 0 : i32
    return %c0_i32, %c0_i32_0 : i32, i32
  }
  func.func @transform_9(%arg0: i32) -> (i32, i32) {
    %c0_i32 = arith.constant 0 : i32
    %c0_i32_0 = arith.constant 0 : i32
    %c0_i32_1 = arith.constant 0 : i32
    return %c0_i32, %c0_i32_0 : i32, i32
  }
}

</mosaic_0001>

<sc_bundles>
// kernel: kernel.6.cloned.1.call-start
scs
__scs_entry_jumppad:
0x0: {  	(pc) =	sbr.rel $0x88, $3  }
0x1: {  	(tag) =	ssettag $0x0;
	lr =	simm.s32 $0x1  }
0x2: {  	[smem:$0x3F97] =	sst lr;
	_ =	strace $0xD0000000  }
0x3: {  	_ = 	snop  }
0x4: {  	_ = 	snop  }
0x5: {  	_ = 	snop  }
0x6: {  	_ = 	snop  }
0x7: {  	_ = 	snop  }
__scs_overlays_trampoline_lowered:
0x8: {  	[smem:$0x3FA6] =	sst s0  }
0x9: {  	[smem:$0x3FA7] =	sst s1  }
0xa: {  	[smem:$0x3FA8] =	sst s2  }
0xb: {  	[smem:$0x3FA9] =	sst s3  }
0xc: {  	[smem:$0x3FAA] =	sst s4  }
0xd: {  	[smem:$0x3FAB] =	sst s5  }
0xe: {  	[smem:$0x3FAC] =	sst s6  }
0xf: {  	[smem:$0x3FAD] =	sst s7  }
0x10: {  	[smem:$0x3FAE] =	sst s8  }
0x11: {  	[smem:$0x3FAF] =	sst s9;
	s0 =	simm.s32 @!p0 $0x0  }
0x12: {  	s1 =	sld [smem:$0x3F95];
	s0 =	simm.s32 @p0 $0x1  }
0x13: {  	[smem:$0x3FB0] =	sst s0;
	s0 =	simm.s32 @!p1 $0x0  }
0x14: {  	s2 =	sld [smem:$0x3F94];
	s0 =	simm.s32 @p1 $0x1  }
0x15: {  	[smem:$0x3FB1] =	sst s0;
	s0 =	simm.s32 @!p2 $0x0  }
0x16: {  	s3 =	sld [smem:$0x3FDB];
	s0 =	simm.s32 @p2 $0x1  }
0x17: {  	s4 =	simm.s32 $0x1BF5;
	[smem:$0x3FB3] =	sst s0  }
0x18: {  	s0 =	sld [smem:$0x3F96];
	_ =	swait.ge [sflag:s4], $0x0  }
0x19: {  	s7 =	sld [smem:$0x3F97]  }
0x1a: {  	s8 =	sadd.s32 $0xFFFFE003, lr  }
0x1b: {  	s9 =	sadd.s32 $0xFFFFFEF7, lr;
	s5 =	simm.s32 $0xFFFFFFFF;
	p2 =	slt.u32 s8, $0xFFFFF086  }
0x1c: {  	p1 =	slt.u32 s9, $0xF7A;
	s5 =	simm.s32 @!p2 $0x0  }
0x1d: {  	s5 =	simm.s32 @p1 $0x1;
	p0 =	seq.s32 s7, s2  }
0x1e: {  	s7 =	smul.u32 @!p0 $0xF7A, s2;
	p2 =	seq.s32 @!p0 s5, $0x0  }
0x1f: {  	s9 =	smul.u32 $0xF7A, s1;
	s8 =	simm.s32 @!p0 $0x1BF5;
	p2 =	por !p2, p0  }
0x20: {  	[sflag:s8] =	ssyncset.s32 @!p0 $0xFFFFF086;
	s6 =	sadd.s32 @!p0 s3, s7;
	s7 =	simm.s32 @!p0 $0x108  }
0x21: {  	s3 =	sadd.s32 s3, s9;
	s6 =	sadd.s32 @!p0 $0x88, s6;
	s7 =	simm.s32 @p2 $0x1082  }
0x22: {  	[simem:s7], [sflag:s8] =	dma.local @!p0 [hbm:s6], $0xF7A  }
0x23: {  	s9 =	sor.u32 $0xD0000000, s2;
	s6 =	simm.s32 $0x108;
	_ =	swait.ge @!p0 [sflag:s8], $0x0  }
0x24: {  	s3 =	sadd.s32 $0x88, s3;
	s6 =	simm.s32 @!p1 $0x1082;
	[sflag:s4] =	ssyncset.s32 $0xFFFFF086  }
0x25: {  	[simem:s6], [sflag:s4] =	dma.local [hbm:s3], $0xF7A  }
0x26: {  	[smem:$0x3F97] =	sst s1;
	(tag) =	ssettag s2;
	_ =	strace s9  }
0x27: {  	s1 =	sld [smem:$0x3FA7]  }
0x28: {  	s2 =	sld [smem:$0x3FA8]  }
0x29: {  	s4 =	sld [smem:$0x3FAA]  }
0x2a: {  	p0 =	seq.s32 s5, $0x0;
	s5 =	sld [smem:$0x3FAB]  }
0x2b: {  	s6 =	sld [smem:$0x3FAC]  }
0x2c: {  	s7 =	sld [smem:$0x3FAD]  }
0x2d: {  	s3 =	simm.s32 $0x108;
	s8 =	sld [smem:$0x3FAE]  }
0x2e: {  	s3 =	simm.s32 @!p0 $0x1082;
	s9 =	sld [smem:$0x3FAF]  }
0x2f: {  	lr =	sadd.s32 s0, s3;
	s0 =	sld [smem:$0x3FA6]  }
0x30: {  	s3 =	sld [smem:$0x3FA9]  }
0x31: {  	[smem:$0x3FB2] =	sst s10  }
0x32: {  	s10 =	sld [smem:$0x3FB0];
	_ =	sdelay $0x3  }
0x33: {  	p0 =	seq.s32 s10, $0x1;
	s10 =	sld [smem:$0x3FB2];
	_ =	sdelay $0x3  }
0x34: {  	[smem:$0x3FB2] =	sst s10  }
0x35: {  	s10 =	sld [smem:$0x3FB1];
	_ =	sdelay $0x3  }
0x36: {  	p1 =	seq.s32 s10, $0x1;
	s10 =	sld [smem:$0x3FB2];
	_ =	sdelay $0x3  }
0x37: {  	[smem:$0x3FB2] =	sst s10  }
0x38: {  	s10 =	sld [smem:$0x3FB3]  }
0x39: {  	_ = 	snop;
	(pc) =	sbr.ind lr, $3  }
0x3a: {  	_ = 	snop  }
0x3b: {  	_ = 	snop  }
0x3c: {  	p2 =	seq.s32 s10, $0x1;
	s10 =	sld [smem:$0x3FB2]  }
0x3d: {  	_ =	shalt  }
0x3e: {  	_ =	shalt  }
0x3f: {  	_ =	shalt  }
0x40: {  	_ =	shalt  }
0x41: {  	_ =	shalt  }
0x42: {  	_ =	shalt  }
0x43: {  	_ =	shalt  }
0x44: {  	_ =	shalt  }
0x45: {  	_ =	shalt  }
0x46: {  	_ =	shalt  }
0x47: {  	_ =	shalt  }
0x48: {  	_ =	shalt  }
0x49: {  	_ =	shalt  }
0x4a: {  	_ =	shalt  }
0x4b: {  	_ =	shalt  }
0x4c: {  	_ =	shalt  }
0x4d: {  	_ =	shalt  }
0x4e: {  	_ =	shalt  }
0x4f: {  	_ =	shalt  }
0x50: {  	_ =	shalt  }
0x51: {  	_ =	shalt  }
0x52: {  	_ =	shalt  }
0x53: {  	_ =	shalt  }
0x54: {  	_ =	shalt  }
0x55: {  	_ =	shalt  }
0x56: {  	_ =	shalt  }
0x57: {  	_ =	shalt  }
0x58: {  	_ =	shalt  }
0x59: {  	_ =	shalt  }
0x5a: {  	_ =	shalt  }
0x5b: {  	_ =	shalt  }
0x5c: {  	_ =	shalt  }
0x5d: {  	_ =	shalt  }
0x5e: {  	_ =	shalt  }
0x5f: {  	_ =	shalt  }
0x60: {  	_ =	shalt  }
0x61: {  	_ =	shalt  }
0x62: {  	_ =	shalt  }
0x63: {  	_ =	shalt  }
0x64: {  	_ =	shalt  }
0x65: {  	_ =	shalt  }
0x66: {  	_ =	shalt  }
0x67: {  	_ =	shalt  }
0x68: {  	_ =	shalt  }
0x69: {  	_ =	shalt  }
0x6a: {  	_ =	shalt  }
0x6b: {  	_ =	shalt  }
0x6c: {  	_ =	shalt  }
0x6d: {  	_ =	shalt  }
0x6e: {  	_ =	shalt  }
0x6f: {  	_ =	shalt  }
0x70: {  	_ =	shalt  }
0x71: {  	_ =	shalt  }
0x72: {  	_ =	shalt  }
0x73: {  	_ =	shalt  }
0x74: {  	_ =	shalt  }
0x75: {  	_ =	shalt  }
0x76: {  	_ =	shalt  }
0x77: {  	_ =	shalt  }
0x78: {  	_ =	shalt  }
0x79: {  	_ =	shalt  }
0x7a: {  	_ =	shalt  }
0x7b: {  	_ =	shalt  }
0x7c: {  	_ =	shalt  }
0x7d: {  	_ =	shalt  }
0x7e: {  	_ =	shalt  }
0x7f: {  	_ =	shalt  }
0x80: {  	_ =	shalt  }
0x81: {  	_ =	shalt  }
0x82: {  	_ =	shalt  }
0x83: {  	_ =	shalt  }
0x84: {  	_ =	shalt  }
0x85: {  	_ =	shalt  }
0x86: {  	_ =	shalt  }
0x87: {  	_ =	shalt  }
.Lfunc_end0:
.L_simem_size_0:
called_computation_lowered:
.L_overlay_start_0:
0x88: {  	s2 =	sld [smem:$0x3FD9]  }
0x89: {  	s3 =	sld [smem:$0x3FFE];
	_ =	sdelay $0x1  }
0x8a: {  	s1 =	srdreg.scid  }
0x8b: {  	s0 =	sand.u32 $0x1, s1  }
0x8c: {  	s14 =	sshll.u32 s0, $0xA;
	s2 =	sadd.s32 s3, s2  }
0x8d: {  	s2 =	sadd.s32 s2, s14  }
0x8e: {  	[smem:$0x3FBE] =	sst s2  }
0x8f: {  	_ = 	snop  }
0x90: {  	s2 =	sld [smem:$0x3FD0];
	_ =	sdelay $0x2  }
0x91: {  	s15 =	simm.s32 $0xA;
	s4 =	simm.s32 $0x10  }
0x92: {  	[smem:s4], [sflag:s15] =	dma.local [hbm:s2], $0x1  }
0x93: {  	_ =	swait.eq [sflag:s15], $0x1  }
0x94: {  	[sflag:s15] =	ssyncset.done $0x0  }
0x95: {  	[sflag:s15] =	ssyncadd.s32 $0xFFFFFFFF  }
0x96: {  	s16 =	sld [smem:$0x10];
	(tm) =	ssettm $0x1  }
0x97: {  	s17 =	sld [smem:$0x3FFB];
	_ =	sdelay $0x3  }
0x98: {  	_ =	strace s17  }
0x99: {  	s3 =	sld [smem:$0x3FFC];
	_ =	sdelay $0x3  }
0x9a: {  	_ =	strace s3  }
0x9b: {  	s3 =	sld [smem:$0x3FFD];
	_ =	sdelay $0x3  }
0x9c: {  	_ =	strace s3  }
0x9d: {  	_ =	strace $0x8FFFFFFF  }
0x9e: {  	s18 =	sld [smem:$0x3FDB];
	_ =	sdelay $0x1  }
0x9f: {  	s19 =	simm.s32 $_scs_section_size  }
0xa0: {  	s5 =	simm.s32 $_size__tile_overlayer_lowered;
	s6 =	simm.s32 $_tile_overlayer_lowered  }
0xa1: {  	s22 =	simm.s32 $0x1BFF;
	s21 =	sshll.u32 s6, $0x1;
	s3 =	sadd.s32 s19, s18  }
0xa2: {  	s7 =	simm.s32 $0x0;
	s20 =	sshll.u32 s5, $0x1;
	s5 =	sadd.s32 s21, s3  }
0xa3: {  	[timem:s7], [sflag:s22] =	dma.local [hbm:s5], s20  }
0xa4: {  	_ =	swait.ge [sflag:s22], s20  }
0xa5: {  	s4 =	ssub.s32 $0x0, s20;
	[sflag:s22] =	ssyncset.done $0x0  }
0xa6: {  	[sflag:s22] =	ssyncadd.s32 s4;
	_ =	sdelay $0x1  }
0xa7: {  	s23 =	simm.s32 $0x1B8B  }
0xa8: {  	_ =	swait.ge [sflag:s23], $0x1  }
0xa9: {  	[sflag:s23] =	ssyncset.done $0x0  }
0xaa: {  	s25 =	simm.s32 $0x1B8E;
	s24 =	sld [smem:$0x3FFE];
	[sflag:s23] =	ssyncadd.s32 $0xFFFFFFFF  }
0xab: {  	s26 =	simm.s32 $execute0_lowered;
	[smem:$0x3FD2] =	sst s25  }
0xac: {  	s5 =	sshll.u32 s26, $0x1;
	_ =	strace $0x80000046;
	[dreg:$0x1] =	wrdreg $0xFFFFFFFF  }
0xad: {  	s28 =	simm.s32 $_size_execute0_lowered;
	s3 =	sadd.s32 s3, s5;
	[dreg:$0x0] =	wrdreg $0x0  }
0xae: {  	s5 =	sshll.u32 s28, $0x1;
	[dreg:$0x2] =	wrdreg s3  }
0xaf: {  	[dreg:$0x3] =	wrdreg s5  }
0xb0: {  	[dreg:$0x4] =	wrdreg $0xC0  }
0xb1: {  	_ =	task [dreg:s7], $0x5FFFF  }
0xb2: {  	[dreg:$0x1] =	wrdreg $0xFFFFFFFF  }
0xb3: {  	[dreg:$0x0] =	wrdreg $0x60  }
0xb4: {  	[dreg:$0x2] =	wrdreg s16  }
0xb5: {  	[dreg:$0x3] =	wrdreg s24  }
0xb6: {  	[dreg:$0x4] =	wrdreg $0x9  }
0xb7: {  	_ =	task.clear_ibuf [dreg:s7], $0x5FFFF;
	_ =	strace $0x90000046  }
0xb8: {  	s29 =	simm.s32 $0x9;
	_ =	strace $0x8000004F  }
0xb9: {  	_ =	swait.ge [sflag:s29], $0x1  }
0xba: {  	[sflag:s29] =	ssyncadd.s32 $0xFFFFFFFF  }
0xbb: {  	_ =	strace $0x9000004F  }
0xbc: {  	_ =	sfence  }
0xbd: {  	s30 =	sld [smem:$0x0];
	_ =	sdelay $0x2  }
0xbe: {  	s31 =	sshll.u32 s1, $0xD;
	s1 =	sshrl.u32 s1, $0x2  }
0xbf: {  	s3 =	sand.u32 $0x4000, s31;
	s1 =	sadd.s32 s1, s30  }
0xc0: {  	s0 =	sor.u32 s3, s0;
	s1 =	sshll.u32 s1, $0x11  }
0xc1: {  	s0 =	sor.u32 s1, s0  }
0xc2: {  	s0 =	sadd.s32 $0x8F2B, s0  }
0xc3: {  	[sflag:s0] =	ssyncadd.remote.s32 $0x1  }
0xc4: {  	_ =	sfence.sel $0xFFFF  }
0xc5: {  	[dreg:$0x0] =	wrdreg $0xFFFFFFFF;
	(pc) =	sbr.abs _section_cstart, $3  }
0xc6: {  	[dreg:$0x1] =	wrdreg $0xFFFFFFFF  }
0xc7: {  	_ =	task.clear_ibuf [dreg:s7], $0x2FFFF;
	_ =	strace $0x9FFFFFFF  }
0xc8: {  	(tm) =	ssettm $0x7FFFFFFF  }
0xc9: {  	_ =	shalt  }
tec
execute0_lowered:
.L_overlay_start_1:
0x0: {  	(tag) =	ssettag $0x1  }
0x1: {  	s0 =	rddreg [dreg:$0x0]  }
0x2: {  	s4 =	rddreg [dreg:$0x1];
	s1 =	simm.s32 $0x0;
	s2 =	srdreg.scid  }
0x3: {  	s31 =	simm.s32 $0x100;
	s10 =	simm.s32 $0x1;
	[dreg:$0x3] =	wrdreg s0  }
0x4: {  	s11 =	simm.s32 $0x4;
	s12 =	simm.s32 $0x80;
	s0 =	rddreg [dreg:$0x2]  }
0x5: {  	s13 =	simm.s32 $0x0;
	[smem:$0x7FF] =	sst s1;
	s3 =	sadd.s32 $0x102400, s4  }
0x6: {  	s5 =	sand.u32 $0x1, s2;
	s6 =	sadd.s32 $0x106400, s4;
	s2 =	stileid.u32  }
0x7: {  	_ =	strace $0x80000047;
	s7 =	sshll.u32 s5, $0x4;
	[dreg:$0x5] =	wrdreg s6  }
0x8: {  	s26 =	sshll.u32 s2, $0x4;
	s5 =	ssub.s32 $0x2, s5;
	[dreg:$0x4] =	wrdreg s31  }
0x9: {  	s7 =	sor.u32 s2, s7;
	s6 =	sand.u32 $0x70, s26;
	s28 =	sshrl.u32 s5, $0x1  }
0xa: {  	s8 =	sshll.u32 s7, $0x7;
	s4 =	sadd.s32 s6, s4;
	s29 =	sshll.u32 s7, $0x9  }
0xb: {  	s9 =	ssub.s32 s5, s28;
	s8 =	sand.u32 $0xC00, s8;
	s5 =	sadd.s32 s3, s29  }
0xc: {  	s30 =	sadd.s32 s8, s4;
	s4 =	sshll.u32 s7, $0x4;
	s7 =	smax.u32 s9, $0x1  }
0xd: {  	v0 =	vimm.f32 $0.0e+00;
	v1 =	vimm.f32 $1.000000000e+00;
	s8 =	simm.s32 $0x400;
	s9 =	simm.s32 $0x5;
	s6 =	sadd.s32 $0x306400, s30  }
.LBB2_1:
0xe: {  	s14 =	simm.s32 $0x40;
	s15 =	simm.s32 $0x0  }
.LBB2_2:
0xf: {  	p0 =	sne.s32 s14, $0xFC0;
	[tilespmem:s15+$0x0] =	vst v0;
	s15 =	smov.u32 s14;
	s14 =	sadd.s32 $0x40, s14  }
.Ltmp0:
0x10: {  	(pc) =	sbr.rel @p0 .LBB2_2-.Ltmp0, $2  }
0x11: {  	_ =	sdelay $0x2  }
0x12: {  	s15 =	sshra.s32 s15, $0x2  }
0x13: {  	[tilespmem:s15+$0x0] =	vst v0;
	s14 =	simm.s32 $0x0;
	s15 =	simm.s32 $0x1  }
0x14: {  	s16 =	simm.s32 $0x10;
	s17 =	simm.s32 $0x0;
	_ =	strace $0x80000048  }
0x15: {  	[tilespmem:s8], [sflag:$0x1] =	stream.linear.gather [hbm4b:s5+s14], $0x100, $0x200038;
	[tilespmem:$0x10600] =	vst v63  }
0x16: {  	s18 =	simm.s32 $0x0;
	s19 =	simm.s32 $0x0;
	_ =	strace $0x90000048  }
.LBB2_4:
0x17: {  	s20 =	smov.u32 s14;
	s14 =	sadd.s32 $0x1, s14  }
0x18: {  	p0 =	seq.s32 s14, $0x10  }
0x19: {  	s14 =	simm.s32 @p0 $0x0  }
0x1a: {  	p6 =	sne.s32 s16, $0x1;
	p1 =	sne.s32 s20, s14  }
0x1b: {  	p0 =	por !p6, !p1  }
0x1c: {  	p0 =	por !p0, !p0  }
0x1d: {  	s22 =	sadd.s32 @p0 s4, s14  }
0x1e: {  	s21 =	sand.u32 @p0 $0x1, s15;
	_ =	strace @p0 $0x80000049;
	s22 =	sshll.u32 @p0 s22, $0x5  }
0x1f: {  	s24 =	simm.s32 @p0 $0x0;
	s23 =	sshll.u32 @p0 s21, $0x8;
	s22 =	sand.u32 @p0 $0x1FFFFFE0, s22  }
0x20: {  	s21 =	sadd.s32 @p0 $0x1, s21;
	s23 =	sor.u32 @p0 $0x400, s23;
	s22 =	sadd.s32 @p0 s3, s22  }
0x21: {  	[tilespmem:s23], [sflag:s21] =	stream.linear.gather @p0 [hbm4b:s22+s24], $0x100, $0x200038;
	[tilespmem:$0x10600] =	vst v63  }
0x22: {  	s28 =	sand.u32 $0x1, s19;
	_ =	strace @p0 $0x90000049  }
0x23: {  	s21 =	sadd.s32 $0x1, s28;
	_ =	strace $0x8000004A  }
0x24: {  	_ =	swait.ge [sflag:s21], $0x100  }
0x25: {  	[sflag:s21] =	ssyncset.done $0x0  }
0x26: {  	[sflag:s21] =	ssyncadd.s32 $0xFFFFFF00  }
0x27: {  	_ =	strace $0x9000004A  }
0x28: {  	s30 =	sshll.u32 s19, $0x8;
	s22 =	sand.u32 $0x1, s18;
	_ =	strace $0x8000004B  }
0x29: {  	s23 =	sand.u32 $0x100, s30;
	s25 =	sshll.u32 s22, $0xF;
	s29 =	rddreg [dreg:$0x3]  }
0x2a: {  	s26 =	sor.u32 $0x400, s23;
	s25 =	sor.u32 $0x600, s25;
	s31 =	rddreg [dreg:$0x4]  }
0x2b: {  	[tilespmem:s25], [sflag:$0x5] =	stream.indirect.gather [hbm4b:s29+s31], $0x80, s26, s31, $0x2000b8;
	[tilespmem:$0x10600] =	vst v63  }
0x2c: {  	_ =	swait.ge [sflag:s9], $0x8000  }
0x2d: {  	[sflag:s9] =	ssyncset.done $0x0  }
0x2e: {  	[sflag:s9] =	ssyncadd.s32 $0xFFFF8000  }
0x2f: {  	v2 =	vld [tilespmem:s23+$0x400];
	_ =	sdelay $0x7  }
0x30: {  	[tilespmem:v2+s1+$0x0] =	vst.idx.add.f32.msk $0xffff, v1  }
0x31: {  	v2 =	vld [tilespmem:s23+$0x410];
	_ =	sdelay $0x7  }
0x32: {  	[tilespmem:v2+s1+$0x0] =	vst.idx.add.f32.msk $0xffff, v1  }
0x33: {  	v2 =	vld [tilespmem:s23+$0x420];
	_ =	sdelay $0x7  }
0x34: {  	[tilespmem:v2+s1+$0x0] =	vst.idx.add.f32.msk $0xffff, v1  }
0x35: {  	v2 =	vld [tilespmem:s23+$0x430];
	_ =	sdelay $0x7  }
0x36: {  	[tilespmem:v2+s1+$0x0] =	vst.idx.add.f32.msk $0xffff, v1  }
0x37: {  	v2 =	vld [tilespmem:s23+$0x440];
	_ =	sdelay $0x7  }
0x38: {  	[tilespmem:v2+s1+$0x0] =	vst.idx.add.f32.msk $0xffff, v1  }
0x39: {  	v2 =	vld [tilespmem:s23+$0x450];
	_ =	sdelay $0x7  }
0x3a: {  	[tilespmem:v2+s1+$0x0] =	vst.idx.add.f32.msk $0xffff, v1  }
0x3b: {  	v2 =	vld [tilespmem:s23+$0x460];
	_ =	sdelay $0x7  }
0x3c: {  	[tilespmem:v2+s1+$0x0] =	vst.idx.add.f32.msk $0xffff, v1  }
0x3d: {  	v2 =	vld [tilespmem:s23+$0x470];
	_ =	sdelay $0x7  }
0x3e: {  	[tilespmem:v2+s1+$0x0] =	vst.idx.add.f32.msk $0xffff, v1  }
0x3f: {  	v2 =	vld [tilespmem:s23+$0x480];
	_ =	sdelay $0x7  }
0x40: {  	[tilespmem:v2+s1+$0x0] =	vst.idx.add.f32.msk $0xffff, v1  }
0x41: {  	v2 =	vld [tilespmem:s23+$0x490];
	_ =	sdelay $0x7  }
0x42: {  	[tilespmem:v2+s1+$0x0] =	vst.idx.add.f32.msk $0xffff, v1  }
0x43: {  	v2 =	vld [tilespmem:s23+$0x4A0];
	_ =	sdelay $0x7  }
0x44: {  	[tilespmem:v2+s1+$0x0] =	vst.idx.add.f32.msk $0xffff, v1  }
0x45: {  	v2 =	vld [tilespmem:s23+$0x4B0];
	_ =	sdelay $0x7  }
0x46: {  	[tilespmem:v2+s1+$0x0] =	vst.idx.add.f32.msk $0xffff, v1  }
0x47: {  	v2 =	vld [tilespmem:s23+$0x4C0];
	_ =	sdelay $0x7  }
0x48: {  	[tilespmem:v2+s1+$0x0] =	vst.idx.add.f32.msk $0xffff, v1  }
0x49: {  	v2 =	vld [tilespmem:s23+$0x4D0];
	_ =	sdelay $0x7  }
0x4a: {  	[tilespmem:v2+s1+$0x0] =	vst.idx.add.f32.msk $0xffff, v1  }
0x4b: {  	v2 =	vld [tilespmem:s23+$0x4E0];
	_ =	sdelay $0x7  }
0x4c: {  	[tilespmem:v2+s1+$0x0] =	vst.idx.add.f32.msk $0xffff, v1  }
0x4d: {  	v2 =	vld [tilespmem:s23+$0x4F0];
	_ =	sdelay $0x6  }
0x4e: {  	p2 =	seq.s32 s16, $0x1  }
0x4f: {  	s20 =	sadd.s32 s4, s20;
	p1 =	por p2, p1;
	[tilespmem:v2+s1+$0x0] =	vst.idx.add.f32.msk $0xffff, v1  }
0x50: {  	s20 =	sshll.u32 @p1 s20, $0xC;
	_ =	strace $0x9000004B  }
0x51: {  	s20 =	sand.u32 @p1 $0x1FFFF000, s20;
	s23 =	simm.s32 $0x1;
	_ =	strace @p1 $0x8000004C  }
0x52: {  	s22 =	sadd.s32 @p1 $0x3, s22;
	s23 =	simm.s32 @!p0 $0x0;
	s21 =	rddreg [dreg:$0x5]  }
0x53: {  	p0 =	seq.s32 s16, $0x10;
	s20 =	sadd.s32 @p1 s21, s20;
	s21 =	simm.s32 @p1 $0x0  }
0x54: {  	[hbm4b:s20+s21] =	stream.linear.scatter @p1 [tilespmem:s25], [sflag:s22], $0x8000, $0x200038;
	[tilespmem:$0x10600] =	vst v63  }
0x55: {  	s20 =	simm.s32 $0x1;
	s22 =	simm.s32 $0x1;
	_ =	strace @p1 $0x9000004C  }
0x56: {  	s20 =	simm.s32 @!p1 $0x0;
	p1 =	sne.s32 s16, $0x10;
	s16 =	sadd.s32 $0xFFFFFFFF, s16  }
0x57: {  	s21 =	sand.u32 @!p0 $0x1, s17;
	s22 =	simm.s32 @!p1 $0x0;
	p1 =	sne.s32 s16, $0x0  }
.Ltmp1:
0x58: {  	s21 =	sadd.s32 @!p0 $0x3, s21;
	_ =	strace @!p0 $0x8000004D;
	(pc) =	sbr.rel @p1 .LBB2_4-.Ltmp1, $4  }
0x59: {  	_ =	swait.ge @!p0 [sflag:s21], $0x8000  }
0x5a: {  	[sflag:s21] =	ssyncset.done @!p0 $0x0  }
0x5b: {  	s15 =	sadd.s32 s23, s15;
	s18 =	sadd.s32 s20, s18;
	[sflag:s21] =	ssyncadd.s32 @!p0 $0xFFFF8000  }
0x5c: {  	s19 =	sadd.s32 s20, s19;
	s17 =	sadd.s32 s22, s17;
	_ =	strace @!p0 $0x9000004D  }
0x5d: {  	_ =	strace $0x8000004E  }
0x5e: {  	_ =	swait.ge [sflag:s11], $0x8000  }
0x5f: {  	s13 =	sadd.s32 $0x1, s13;
	[sflag:s11] =	ssyncset.done $0x0  }
0x60: {  	p0 =	sne.s32 s13, s7;
	[sflag:s11] =	ssyncadd.s32 $0xFFFF8000  }
.Ltmp2:
0x61: {  	_ =	strace $0x9000004E;
	(pc) =	sbr.rel @p0 .LBB2_1-.Ltmp2, $4  }
0x62: {  	[hbm4b:s6+s12] =	stream.strided.scatter [tilespmem:s1], [sflag:$0x1], $0x400, s8, s12, $0x38;
	[tilespmem:$0x10600] =	vst v63  }
0x63: {  	_ =	swait.ge [sflag:s10], $0x400  }
0x64: {  	[sflag:s10] =	ssyncset.done $0x0  }
0x65: {  	[sflag:s10] =	ssyncadd.s32 $0xFFFFFC00  }
0x66: {  	_ =	sfence.sel $0x180000  }
0x67: {  	[bflag:$0x0] =	sbarrier.arrive $0xFFFF  }
0x68: {  	p0 =	sne.s32 s2, $0x0;
	_ =	strace $0x90000047  }
0x69: {  	s0 =	sadd.s32 @!p0 $0x100000, s0;
	[bflag:$0x2] =	sbarrier.arrive $0xFFFF  }
0x6a: {  	[sflag:s0] =	ssyncadd.tile.s32 @!p0 $0x1;
	_ =	shalt  }
.Lfunc_end2:
_tile_overlayer_lowered:
.L_overlay_start_2:
0x6b: {  	(tag) =	ssettag $0x2  }
0x6c: {  	s0 =	rddreg [dreg:$0x0];
	s2 =	stileid.u32  }
0x6d: {  	s1 =	rddreg [dreg:$0x1];
	p0 =	sne.s32 s2, $0x0  }
0x6e: {  	s3 =	rddreg [dreg:$0x2];
	[bflag:$0x3] =	sbarrier.arrive $0xFFFF;
	s2 =	simm.s32 @!p0 $0x1C01  }
0x6f: {  	[timem:s3], [sflag:s2] =	dma.local @!p0 [hbm:s0], s1  }
0x70: {  	s0 =	simm.s32 @!p0 $0x1  }
0x71: {  	_ =	swait.ge @!p0 [sflag:s0], s1  }
0x72: {  	s1 =	ssub.s32 @!p0 $0x0, s1;
	[sflag:s0] =	ssyncset.done @!p0 $0x0  }
0x73: {  	[sflag:s0] =	ssyncadd.s32 @!p0 s1  }
0x74: {  	[bflag:$0x3] =	sbarrier.arrive $0xFFFF  }
0x75: {  	_ =	shalt  }

</sc_bundles>
